<compile_context>
chip_gen: v7x
topology: tpu7x:2x2x1
jax: 0.10.2.dev20260603
libtpu: 0.0.44.dev20260713+nightly
codegen_flags: <defaults>
</compile_context>

<pallas_src>
import jax
import jax.numpy as jnp
from jax import lax
from jax.experimental import pallas as pl
from jax.experimental.pallas import tpu as pltpu
from jax.experimental.pallas import tpu_sc as plsc
import functools

K = 32
B = 16384
NC, NS, L = 2, 16, 16
NW = NC * NS
BPW = B // NW
NCHUNK = BPW // L
GCH = 128
NG = BPW // GCH


def _sc_gather_dots(u, i, j, gamma_u, gamma_i, beta_u, beta_i):
  mesh = plsc.VectorSubcoreMesh(core_axis_name="c", subcore_axis_name="s")

  @functools.partial(
      pl.kernel,
      out_type=[jax.ShapeDtypeStruct((B,), jnp.float32),
                jax.ShapeDtypeStruct((B,), jnp.float32)],
      mesh=mesh,
      compiler_params=pltpu.CompilerParams(
          needs_layout_passes=False, use_tc_tiling_on_sc=False),
      scratch_types=[
          pltpu.VMEM((BPW,), jnp.int32),
          pltpu.VMEM((BPW,), jnp.int32),
          pltpu.VMEM((BPW,), jnp.int32),
          pltpu.VMEM((BPW, K), jnp.float32),
          pltpu.VMEM((BPW, K), jnp.float32),
          pltpu.VMEM((BPW, K), jnp.float32),
          pltpu.VMEM((BPW,), jnp.float32),
          pltpu.VMEM((BPW,), jnp.float32),
          pltpu.VMEM((BPW,), jnp.float32),
          pltpu.VMEM((BPW,), jnp.float32),
          pltpu.VMEM((BPW,), jnp.float32),
          pltpu.SemaphoreType.DMA,
      ],
  )
  def sc_k(u_h, i_h, j_h, gu_h, gi_h, bu_h, bi_h, xui_h, xuj_h,
           iu_v, ii_v, ij_v, ru_v, ri_v, rj_v, bu_v, bi_v, bj_v,
           xui_v, xuj_v, sem):
    wid = lax.axis_index("s") * NC + lax.axis_index("c")
    base = wid * BPW
    pltpu.sync_copy(u_h.at[pl.ds(base, BPW)], iu_v)
    pltpu.sync_copy(i_h.at[pl.ds(base, BPW)], ii_v)
    pltpu.sync_copy(j_h.at[pl.ds(base, BPW)], ij_v)

    copies = []
    for t in range(NG):
      sl = pl.ds(t * GCH, GCH)
      copies.append(pltpu.async_copy(gu_h.at[iu_v.at[sl]], ru_v.at[sl], sem))
      copies.append(pltpu.async_copy(gi_h.at[ii_v.at[sl]], ri_v.at[sl], sem))
      copies.append(pltpu.async_copy(gi_h.at[ij_v.at[sl]], rj_v.at[sl], sem))
      copies.append(pltpu.async_copy(bu_h.at[iu_v.at[sl]], bu_v.at[sl], sem))
      copies.append(pltpu.async_copy(bi_h.at[ii_v.at[sl]], bi_v.at[sl], sem))
      copies.append(pltpu.async_copy(bi_h.at[ij_v.at[sl]], bj_v.at[sl], sem))
    for cp in copies:
      cp.wait()

    lane = lax.iota(jnp.int32, L)

    def chunk(c, carry):
      off = pl.multiple_of(c * L, L)
      b_u = bu_v[pl.ds(off, L)]
      acc_ui = b_u + bi_v[pl.ds(off, L)]
      acc_uj = b_u + bj_v[pl.ds(off, L)]
      for m in range(L):
        b = c * L + m
        pu0 = ru_v[b, pl.ds(0, L)]
        pu1 = ru_v[b, pl.ds(L, L)]
        pi0 = ri_v[b, pl.ds(0, L)]
        pi1 = ri_v[b, pl.ds(L, L)]
        pj0 = rj_v[b, pl.ds(0, L)]
        pj1 = rj_v[b, pl.ds(L, L)]
        dui = pu0 * pi0 + pu1 * pi1
        duj = pu0 * pj0 + pu1 * pj1
        msk = lane == m
        acc_ui = jnp.where(msk, acc_ui + jnp.sum(dui), acc_ui)
        acc_uj = jnp.where(msk, acc_uj + jnp.sum(duj), acc_uj)
      xui_v[pl.ds(off, L)] = acc_ui
      xuj_v[pl.ds(off, L)] = acc_uj
      return carry

    lax.fori_loop(0, NCHUNK, chunk, 0)
    pltpu.sync_copy(xui_v, xui_h.at[pl.ds(base, BPW)])
    pltpu.sync_copy(xuj_v, xuj_h.at[pl.ds(base, BPW)])

  return sc_k(u, i, j, gamma_u, gamma_i, beta_u, beta_i)


def _loss_body(a_ref, b_ref, o_ref):
  z = a_ref[...] - b_ref[...]
  ls = jnp.minimum(z, 0.0) - jnp.log1p(jnp.exp(-jnp.abs(z)))
  o_ref[0, 0] = -jnp.sum(ls) / jnp.float32(B)


def _loss(xui, xuj):
  out = pl.pallas_call(
      _loss_body,
      out_shape=jax.ShapeDtypeStruct((1, 1), jnp.float32),
      out_specs=pl.BlockSpec(memory_space=pltpu.SMEM),
  )(xui.reshape(128, 128), xuj.reshape(128, 128))
  return out[0, 0]


@jax.jit
def kernel(u, i, j, gamma_u, gamma_i, beta_u, beta_i):
  u = u.astype(jnp.int32)
  i = i.astype(jnp.int32)
  j = j.astype(jnp.int32)
  xui, xuj = _sc_gather_dots(u, i, j, gamma_u, gamma_i,
                             beta_u.reshape(-1), beta_i.reshape(-1))
  loss = _loss(xui, xuj)
  return (xui, xuj, loss)

# --- scband reference (transcript-rebuilt; emitter-appended) ---
"""Pipeline reference for scband-bpr-12369505813197 (READ-ONLY COPY).

The authoritative reference and input builder live on the scoring server;
editing this copy changes nothing except your own understanding.
"""

import jax, jax.numpy as jnp
import numpy as np

K = 32
N_ITEMS = 1000000
N_USERS = 1000000
B = 16384


def setup_inputs(seed: int = 0) -> dict:
    key = jax.random.key(seed)
    ks = jax.random.split(key, 7)
    return {
        "u": jax.random.randint(ks[0], (B,), 0, N_USERS, dtype=jnp.int64) if jax.config.jax_enable_x64 else jax.random.randint(ks[0], (B,), 0, N_USERS, dtype=jnp.int32),
        "i": jax.random.randint(ks[1], (B,), 0, N_ITEMS, dtype=jnp.int32),
        "j": jax.random.randint(ks[2], (B,), 0, N_ITEMS, dtype=jnp.int32),
        "gamma_u": jax.random.normal(ks[3], (N_USERS, K), dtype=jnp.float32) * 0.01,
        "gamma_i": jax.random.normal(ks[4], (N_ITEMS, K), dtype=jnp.float32) * 0.01,
        "beta_u": jax.random.normal(ks[5], (N_USERS, 1), dtype=jnp.float32) * 0.01,
        "beta_i": jax.random.normal(ks[6], (N_ITEMS, 1), dtype=jnp.float32) * 0.01,
    }


def reference(u, i, j, gamma_u, gamma_i, beta_u, beta_i):
    # gather embeddings (SparseCore-friendly gathers)
    latent_u = jnp.take(gamma_u, u, axis=0)          # [B, K]
    latent_i = jnp.take(gamma_i, i, axis=0)          # [B, K]
    latent_j = jnp.take(gamma_i, j, axis=0)          # [B, K]

    x_ui = jnp.sum(latent_u * latent_i, axis=-1)     # [B]
    x_uj = jnp.sum(latent_u * latent_j, axis=-1)     # [B]

    bias_u = jnp.take(beta_u, u, axis=0).squeeze(-1)  # [B]
    bias_i = jnp.take(beta_i, i, axis=0).squeeze(-1)  # [B]
    bias_j = jnp.take(beta_i, j, axis=0).squeeze(-1)  # [B]

    x_ui = x_ui + bias_u + bias_i
    x_uj = x_uj + bias_u + bias_j

    loss = -jnp.mean(jax.nn.log_sigmoid(x_ui - x_uj))
    return (x_ui, x_uj, loss)

if __name__ == "__main__":
    import jax
    _d = setup_inputs()
    print(jax.jit(kernel)(*tuple(_d.values())))

</pallas_src>

<mosaic_0001>
#map = affine_map<(d0, d1) -> (0)>
#map1 = affine_map<(d0, d1) -> (0, 0)>
module attributes {stable_mosaic.version = 14 : i64} {
  func.func @sc_k(%arg0: i32, %arg1: i32, %arg2: memref<16384xi32, #tpu.memory_space<hbm>>, %arg3: memref<16384xi32, #tpu.memory_space<hbm>>, %arg4: memref<16384xi32, #tpu.memory_space<hbm>>, %arg5: memref<1000000x32xf32, #tpu.memory_space<hbm>>, %arg6: memref<1000000x32xf32, #tpu.memory_space<hbm>>, %arg7: memref<1000000xf32, #tpu.memory_space<hbm>>, %arg8: memref<1000000xf32, #tpu.memory_space<hbm>>, %arg9: memref<16384xf32, #tpu.memory_space<hbm>>, %arg10: memref<16384xf32, #tpu.memory_space<hbm>>, %arg11: memref<512xi32, #tpu.memory_space<vmem>>, %arg12: memref<512xi32, #tpu.memory_space<vmem>>, %arg13: memref<512xi32, #tpu.memory_space<vmem>>, %arg14: memref<512x32xf32, #tpu.memory_space<vmem>>, %arg15: memref<512x32xf32, #tpu.memory_space<vmem>>, %arg16: memref<512x32xf32, #tpu.memory_space<vmem>>, %arg17: memref<512xf32, #tpu.memory_space<vmem>>, %arg18: memref<512xf32, #tpu.memory_space<vmem>>, %arg19: memref<512xf32, #tpu.memory_space<vmem>>, %arg20: memref<512xf32, #tpu.memory_space<vmem>>, %arg21: memref<512xf32, #tpu.memory_space<vmem>>, %arg22: memref<!tpu.dma_semaphore, #tpu.memory_space<semaphore_mem>>) attributes {dimension_semantics = [#tpu.dimension_semantics<core_parallel>, #tpu.dimension_semantics<subcore_parallel>], iteration_bounds = array<i64: 2, 16>, scalar_prefetch = 0 : i64, scratch_operands = 12 : i64, tpu.core_type = #tpu.core_type<sc_vector_subcore>, window_params = [{transform_indices = #map}, {transform_indices = #map}, {transform_indices = #map}, {transform_indices = #map1}, {transform_indices = #map1}, {transform_indices = #map}, {transform_indices = #map}, {transform_indices = #map}, {transform_indices = #map}]} {
    %mul3A = arith.constant 2 : i32
    %mul3A_0 = arith.muli %arg1, %mul3A : i32
    %add3A = arith.addi %mul3A_0, %arg0 : i32
    %mul3A_1 = arith.constant 512 : i32
    %mul3A_2 = arith.muli %add3A, %mul3A_1 : i32
    "tpu.region"() ({
      %run_scoped3A = tpu.sem_alloc : memref<!tpu.dma_semaphore, #tpu.memory_space<semaphore_mem>>
      %dma_start3A_342 = tpu.memref_slice %arg2[%mul3A_2] : memref<16384xi32, #tpu.memory_space<hbm>> -> memref<512xi32, #tpu.memory_space<hbm>>
      %dma_start3A_343 = tpu.memref_slice %arg2[%mul3A_2] : memref<16384xi32, #tpu.memory_space<hbm>> -> memref<512xi32, #tpu.memory_space<hbm>>
      tpu.enqueue_dma source(%dma_start3A_343 : memref<512xi32, #tpu.memory_space<hbm>>) target(%arg11 : memref<512xi32, #tpu.memory_space<vmem>>) target_semaphore(%run_scoped3A : memref<!tpu.dma_semaphore, #tpu.memory_space<semaphore_mem>>)
      %dma_wait3A_344 = tpu.memref_slice %arg2[%mul3A_2] : memref<16384xi32, #tpu.memory_space<hbm>> -> memref<512xi32, #tpu.memory_space<hbm>>
      %dma_wait3A_345 = tpu.memref_slice %arg2[%mul3A_2] : memref<16384xi32, #tpu.memory_space<hbm>> -> memref<512xi32, #tpu.memory_space<hbm>>
      tpu.wait_dma2 semaphore(%run_scoped3A : memref<!tpu.dma_semaphore, #tpu.memory_space<semaphore_mem>>) src(%dma_wait3A_345 : memref<512xi32, #tpu.memory_space<hbm>>) dst(%arg11 : memref<512xi32, #tpu.memory_space<vmem>>)
      tpu.yield
    }) : () -> ()
    "tpu.region"() ({
      %run_scoped3A = tpu.sem_alloc : memref<!tpu.dma_semaphore, #tpu.memory_space<semaphore_mem>>
      %dma_start3A_342 = tpu.memref_slice %arg3[%mul3A_2] : memref<16384xi32, #tpu.memory_space<hbm>> -> memref<512xi32, #tpu.memory_space<hbm>>
      %dma_start3A_343 = tpu.memref_slice %arg3[%mul3A_2] : memref<16384xi32, #tpu.memory_space<hbm>> -> memref<512xi32, #tpu.memory_space<hbm>>
      tpu.enqueue_dma source(%dma_start3A_343 : memref<512xi32, #tpu.memory_space<hbm>>) target(%arg12 : memref<512xi32, #tpu.memory_space<vmem>>) target_semaphore(%run_scoped3A : memref<!tpu.dma_semaphore, #tpu.memory_space<semaphore_mem>>)
      %dma_wait3A_344 = tpu.memref_slice %arg3[%mul3A_2] : memref<16384xi32, #tpu.memory_space<hbm>> -> memref<512xi32, #tpu.memory_space<hbm>>
      %dma_wait3A_345 = tpu.memref_slice %arg3[%mul3A_2] : memref<16384xi32, #tpu.memory_space<hbm>> -> memref<512xi32, #tpu.memory_space<hbm>>
      tpu.wait_dma2 semaphore(%run_scoped3A : memref<!tpu.dma_semaphore, #tpu.memory_space<semaphore_mem>>) src(%dma_wait3A_345 : memref<512xi32, #tpu.memory_space<hbm>>) dst(%arg12 : memref<512xi32, #tpu.memory_space<vmem>>)
      tpu.yield
    }) : () -> ()
    "tpu.region"() ({
      %run_scoped3A = tpu.sem_alloc : memref<!tpu.dma_semaphore, #tpu.memory_space<semaphore_mem>>
      %dma_start3A_342 = tpu.memref_slice %arg4[%mul3A_2] : memref<16384xi32, #tpu.memory_space<hbm>> -> memref<512xi32, #tpu.memory_space<hbm>>
      %dma_start3A_343 = tpu.memref_slice %arg4[%mul3A_2] : memref<16384xi32, #tpu.memory_space<hbm>> -> memref<512xi32, #tpu.memory_space<hbm>>
      tpu.enqueue_dma source(%dma_start3A_343 : memref<512xi32, #tpu.memory_space<hbm>>) target(%arg13 : memref<512xi32, #tpu.memory_space<vmem>>) target_semaphore(%run_scoped3A : memref<!tpu.dma_semaphore, #tpu.memory_space<semaphore_mem>>)
      %dma_wait3A_344 = tpu.memref_slice %arg4[%mul3A_2] : memref<16384xi32, #tpu.memory_space<hbm>> -> memref<512xi32, #tpu.memory_space<hbm>>
      %dma_wait3A_345 = tpu.memref_slice %arg4[%mul3A_2] : memref<16384xi32, #tpu.memory_space<hbm>> -> memref<512xi32, #tpu.memory_space<hbm>>
      tpu.wait_dma2 semaphore(%run_scoped3A : memref<!tpu.dma_semaphore, #tpu.memory_space<semaphore_mem>>) src(%dma_wait3A_345 : memref<512xi32, #tpu.memory_space<hbm>>) dst(%arg13 : memref<512xi32, #tpu.memory_space<vmem>>)
      tpu.yield
    }) : () -> ()
    %dma_start3A = arith.constant 0 : i32
    %dma_start3A_3 = arith.constant 0 : i32
    %dma_start3A_4 = tpu.memref_slice %arg14[%dma_start3A, %dma_start3A_3] : memref<512x32xf32, #tpu.memory_space<vmem>> -> memref<128x32xf32, #tpu.memory_space<vmem>>
    %dma_start3A_5 = arith.constant 0 : i32
    %dma_start3A_6 = tpu.memref_slice %arg11[%dma_start3A_5] : memref<512xi32, #tpu.memory_space<vmem>> -> memref<128xi32, #tpu.memory_space<vmem>>
    %dma_start3A_7 = arith.constant 0 : i32
    %dma_start3A_8 = arith.constant 0 : i32
    %dma_start3A_9 = tpu.memref_slice %arg5[%dma_start3A_7, %dma_start3A_8] : memref<1000000x32xf32, #tpu.memory_space<hbm>> -> memref<1000000x32xf32, #tpu.memory_space<hbm>>
    tpu.enqueue_indirect_dma source(%dma_start3A_9 : memref<1000000x32xf32, #tpu.memory_space<hbm>>) target(%dma_start3A_4 : memref<128x32xf32, #tpu.memory_space<vmem>>) offsets(%dma_start3A_6 : memref<128xi32, #tpu.memory_space<vmem>>) semaphore(%arg22 : memref<!tpu.dma_semaphore, #tpu.memory_space<semaphore_mem>>)
    %dma_start3A_10 = arith.constant 0 : i32
    %dma_start3A_11 = arith.constant 0 : i32
    %dma_start3A_12 = tpu.memref_slice %arg15[%dma_start3A_10, %dma_start3A_11] : memref<512x32xf32, #tpu.memory_space<vmem>> -> memref<128x32xf32, #tpu.memory_space<vmem>>
    %dma_start3A_13 = arith.constant 0 : i32
    %dma_start3A_14 = tpu.memref_slice %arg12[%dma_start3A_13] : memref<512xi32, #tpu.memory_space<vmem>> -> memref<128xi32, #tpu.memory_space<vmem>>
    %dma_start3A_15 = arith.constant 0 : i32
    %dma_start3A_16 = arith.constant 0 : i32
    %dma_start3A_17 = tpu.memref_slice %arg6[%dma_start3A_15, %dma_start3A_16] : memref<1000000x32xf32, #tpu.memory_space<hbm>> -> memref<1000000x32xf32, #tpu.memory_space<hbm>>
    tpu.enqueue_indirect_dma source(%dma_start3A_17 : memref<1000000x32xf32, #tpu.memory_space<hbm>>) target(%dma_start3A_12 : memref<128x32xf32, #tpu.memory_space<vmem>>) offsets(%dma_start3A_14 : memref<128xi32, #tpu.memory_space<vmem>>) semaphore(%arg22 : memref<!tpu.dma_semaphore, #tpu.memory_space<semaphore_mem>>)
    %dma_start3A_18 = arith.constant 0 : i32
    %dma_start3A_19 = arith.constant 0 : i32
    %dma_start3A_20 = tpu.memref_slice %arg16[%dma_start3A_18, %dma_start3A_19] : memref<512x32xf32, #tpu.memory_space<vmem>> -> memref<128x32xf32, #tpu.memory_space<vmem>>
    %dma_start3A_21 = arith.constant 0 : i32
    %dma_start3A_22 = tpu.memref_slice %arg13[%dma_start3A_21] : memref<512xi32, #tpu.memory_space<vmem>> -> memref<128xi32, #tpu.memory_space<vmem>>
    %dma_start3A_23 = arith.constant 0 : i32
    %dma_start3A_24 = arith.constant 0 : i32
    %dma_start3A_25 = tpu.memref_slice %arg6[%dma_start3A_23, %dma_start3A_24] : memref<1000000x32xf32, #tpu.memory_space<hbm>> -> memref<1000000x32xf32, #tpu.memory_space<hbm>>
    tpu.enqueue_indirect_dma source(%dma_start3A_25 : memref<1000000x32xf32, #tpu.memory_space<hbm>>) target(%dma_start3A_20 : memref<128x32xf32, #tpu.memory_space<vmem>>) offsets(%dma_start3A_22 : memref<128xi32, #tpu.memory_space<vmem>>) semaphore(%arg22 : memref<!tpu.dma_semaphore, #tpu.memory_space<semaphore_mem>>)
    %dma_start3A_26 = arith.constant 0 : i32
    %dma_start3A_27 = tpu.memref_slice %arg17[%dma_start3A_26] : memref<512xf32, #tpu.memory_space<vmem>> -> memref<128xf32, #tpu.memory_space<vmem>>
    %dma_start3A_28 = arith.constant 0 : i32
    %dma_start3A_29 = tpu.memref_slice %arg11[%dma_start3A_28] : memref<512xi32, #tpu.memory_space<vmem>> -> memref<128xi32, #tpu.memory_space<vmem>>
    %dma_start3A_30 = arith.constant 0 : i32
    %dma_start3A_31 = tpu.memref_slice %arg7[%dma_start3A_30] : memref<1000000xf32, #tpu.memory_space<hbm>> -> memref<1000000xf32, #tpu.memory_space<hbm>>
    tpu.enqueue_indirect_dma source(%dma_start3A_31 : memref<1000000xf32, #tpu.memory_space<hbm>>) target(%dma_start3A_27 : memref<128xf32, #tpu.memory_space<vmem>>) offsets(%dma_start3A_29 : memref<128xi32, #tpu.memory_space<vmem>>) semaphore(%arg22 : memref<!tpu.dma_semaphore, #tpu.memory_space<semaphore_mem>>)
    %dma_start3A_32 = arith.constant 0 : i32
    %dma_start3A_33 = tpu.memref_slice %arg18[%dma_start3A_32] : memref<512xf32, #tpu.memory_space<vmem>> -> memref<128xf32, #tpu.memory_space<vmem>>
    %dma_start3A_34 = arith.constant 0 : i32
    %dma_start3A_35 = tpu.memref_slice %arg12[%dma_start3A_34] : memref<512xi32, #tpu.memory_space<vmem>> -> memref<128xi32, #tpu.memory_space<vmem>>
    %dma_start3A_36 = arith.constant 0 : i32
    %dma_start3A_37 = tpu.memref_slice %arg8[%dma_start3A_36] : memref<1000000xf32, #tpu.memory_space<hbm>> -> memref<1000000xf32, #tpu.memory_space<hbm>>
    tpu.enqueue_indirect_dma source(%dma_start3A_37 : memref<1000000xf32, #tpu.memory_space<hbm>>) target(%dma_start3A_33 : memref<128xf32, #tpu.memory_space<vmem>>) offsets(%dma_start3A_35 : memref<128xi32, #tpu.memory_space<vmem>>) semaphore(%arg22 : memref<!tpu.dma_semaphore, #tpu.memory_space<semaphore_mem>>)
    %dma_start3A_38 = arith.constant 0 : i32
    %dma_start3A_39 = tpu.memref_slice %arg19[%dma_start3A_38] : memref<512xf32, #tpu.memory_space<vmem>> -> memref<128xf32, #tpu.memory_space<vmem>>
    %dma_start3A_40 = arith.constant 0 : i32
    %dma_start3A_41 = tpu.memref_slice %arg13[%dma_start3A_40] : memref<512xi32, #tpu.memory_space<vmem>> -> memref<128xi32, #tpu.memory_space<vmem>>
    %dma_start3A_42 = arith.constant 0 : i32
    %dma_start3A_43 = tpu.memref_slice %arg8[%dma_start3A_42] : memref<1000000xf32, #tpu.memory_space<hbm>> -> memref<1000000xf32, #tpu.memory_space<hbm>>
    tpu.enqueue_indirect_dma source(%dma_start3A_43 : memref<1000000xf32, #tpu.memory_space<hbm>>) target(%dma_start3A_39 : memref<128xf32, #tpu.memory_space<vmem>>) offsets(%dma_start3A_41 : memref<128xi32, #tpu.memory_space<vmem>>) semaphore(%arg22 : memref<!tpu.dma_semaphore, #tpu.memory_space<semaphore_mem>>)
    %dma_start3A_44 = arith.constant 128 : i32
    %dma_start3A_45 = arith.constant 0 : i32
    %dma_start3A_46 = tpu.memref_slice %arg14[%dma_start3A_44, %dma_start3A_45] : memref<512x32xf32, #tpu.memory_space<vmem>> -> memref<128x32xf32, #tpu.memory_space<vmem>>
    %dma_start3A_47 = arith.constant 128 : i32
    %dma_start3A_48 = tpu.memref_slice %arg11[%dma_start3A_47] : memref<512xi32, #tpu.memory_space<vmem>> -> memref<128xi32, #tpu.memory_space<vmem>>
    %dma_start3A_49 = arith.constant 0 : i32
    %dma_start3A_50 = arith.constant 0 : i32
    %dma_start3A_51 = tpu.memref_slice %arg5[%dma_start3A_49, %dma_start3A_50] : memref<1000000x32xf32, #tpu.memory_space<hbm>> -> memref<1000000x32xf32, #tpu.memory_space<hbm>>
    tpu.enqueue_indirect_dma source(%dma_start3A_51 : memref<1000000x32xf32, #tpu.memory_space<hbm>>) target(%dma_start3A_46 : memref<128x32xf32, #tpu.memory_space<vmem>>) offsets(%dma_start3A_48 : memref<128xi32, #tpu.memory_space<vmem>>) semaphore(%arg22 : memref<!tpu.dma_semaphore, #tpu.memory_space<semaphore_mem>>)
    %dma_start3A_52 = arith.constant 128 : i32
    %dma_start3A_53 = arith.constant 0 : i32
    %dma_start3A_54 = tpu.memref_slice %arg15[%dma_start3A_52, %dma_start3A_53] : memref<512x32xf32, #tpu.memory_space<vmem>> -> memref<128x32xf32, #tpu.memory_space<vmem>>
    %dma_start3A_55 = arith.constant 128 : i32
    %dma_start3A_56 = tpu.memref_slice %arg12[%dma_start3A_55] : memref<512xi32, #tpu.memory_space<vmem>> -> memref<128xi32, #tpu.memory_space<vmem>>
    %dma_start3A_57 = arith.constant 0 : i32
    %dma_start3A_58 = arith.constant 0 : i32
    %dma_start3A_59 = tpu.memref_slice %arg6[%dma_start3A_57, %dma_start3A_58] : memref<1000000x32xf32, #tpu.memory_space<hbm>> -> memref<1000000x32xf32, #tpu.memory_space<hbm>>
    tpu.enqueue_indirect_dma source(%dma_start3A_59 : memref<1000000x32xf32, #tpu.memory_space<hbm>>) target(%dma_start3A_54 : memref<128x32xf32, #tpu.memory_space<vmem>>) offsets(%dma_start3A_56 : memref<128xi32, #tpu.memory_space<vmem>>) semaphore(%arg22 : memref<!tpu.dma_semaphore, #tpu.memory_space<semaphore_mem>>)
    %dma_start3A_60 = arith.constant 128 : i32
    %dma_start3A_61 = arith.constant 0 : i32
    %dma_start3A_62 = tpu.memref_slice %arg16[%dma_start3A_60, %dma_start3A_61] : memref<512x32xf32, #tpu.memory_space<vmem>> -> memref<128x32xf32, #tpu.memory_space<vmem>>
    %dma_start3A_63 = arith.constant 128 : i32
    %dma_start3A_64 = tpu.memref_slice %arg13[%dma_start3A_63] : memref<512xi32, #tpu.memory_space<vmem>> -> memref<128xi32, #tpu.memory_space<vmem>>
    %dma_start3A_65 = arith.constant 0 : i32
    %dma_start3A_66 = arith.constant 0 : i32
    %dma_start3A_67 = tpu.memref_slice %arg6[%dma_start3A_65, %dma_start3A_66] : memref<1000000x32xf32, #tpu.memory_space<hbm>> -> memref<1000000x32xf32, #tpu.memory_space<hbm>>
    tpu.enqueue_indirect_dma source(%dma_start3A_67 : memref<1000000x32xf32, #tpu.memory_space<hbm>>) target(%dma_start3A_62 : memref<128x32xf32, #tpu.memory_space<vmem>>) offsets(%dma_start3A_64 : memref<128xi32, #tpu.memory_space<vmem>>) semaphore(%arg22 : memref<!tpu.dma_semaphore, #tpu.memory_space<semaphore_mem>>)
    %dma_start3A_68 = arith.constant 128 : i32
    %dma_start3A_69 = tpu.memref_slice %arg17[%dma_start3A_68] : memref<512xf32, #tpu.memory_space<vmem>> -> memref<128xf32, #tpu.memory_space<vmem>>
    %dma_start3A_70 = arith.constant 128 : i32
    %dma_start3A_71 = tpu.memref_slice %arg11[%dma_start3A_70] : memref<512xi32, #tpu.memory_space<vmem>> -> memref<128xi32, #tpu.memory_space<vmem>>
    %dma_start3A_72 = arith.constant 0 : i32
    %dma_start3A_73 = tpu.memref_slice %arg7[%dma_start3A_72] : memref<1000000xf32, #tpu.memory_space<hbm>> -> memref<1000000xf32, #tpu.memory_space<hbm>>
    tpu.enqueue_indirect_dma source(%dma_start3A_73 : memref<1000000xf32, #tpu.memory_space<hbm>>) target(%dma_start3A_69 : memref<128xf32, #tpu.memory_space<vmem>>) offsets(%dma_start3A_71 : memref<128xi32, #tpu.memory_space<vmem>>) semaphore(%arg22 : memref<!tpu.dma_semaphore, #tpu.memory_space<semaphore_mem>>)
    %dma_start3A_74 = arith.constant 128 : i32
    %dma_start3A_75 = tpu.memref_slice %arg18[%dma_start3A_74] : memref<512xf32, #tpu.memory_space<vmem>> -> memref<128xf32, #tpu.memory_space<vmem>>
    %dma_start3A_76 = arith.constant 128 : i32
    %dma_start3A_77 = tpu.memref_slice %arg12[%dma_start3A_76] : memref<512xi32, #tpu.memory_space<vmem>> -> memref<128xi32, #tpu.memory_space<vmem>>
    %dma_start3A_78 = arith.constant 0 : i32
    %dma_start3A_79 = tpu.memref_slice %arg8[%dma_start3A_78] : memref<1000000xf32, #tpu.memory_space<hbm>> -> memref<1000000xf32, #tpu.memory_space<hbm>>
    tpu.enqueue_indirect_dma source(%dma_start3A_79 : memref<1000000xf32, #tpu.memory_space<hbm>>) target(%dma_start3A_75 : memref<128xf32, #tpu.memory_space<vmem>>) offsets(%dma_start3A_77 : memref<128xi32, #tpu.memory_space<vmem>>) semaphore(%arg22 : memref<!tpu.dma_semaphore, #tpu.memory_space<semaphore_mem>>)
    %dma_start3A_80 = arith.constant 128 : i32
    %dma_start3A_81 = tpu.memref_slice %arg19[%dma_start3A_80] : memref<512xf32, #tpu.memory_space<vmem>> -> memref<128xf32, #tpu.memory_space<vmem>>
    %dma_start3A_82 = arith.constant 128 : i32
    %dma_start3A_83 = tpu.memref_slice %arg13[%dma_start3A_82] : memref<512xi32, #tpu.memory_space<vmem>> -> memref<128xi32, #tpu.memory_space<vmem>>
    %dma_start3A_84 = arith.constant 0 : i32
    %dma_start3A_85 = tpu.memref_slice %arg8[%dma_start3A_84] : memref<1000000xf32, #tpu.memory_space<hbm>> -> memref<1000000xf32, #tpu.memory_space<hbm>>
    tpu.enqueue_indirect_dma source(%dma_start3A_85 : memref<1000000xf32, #tpu.memory_space<hbm>>) target(%dma_start3A_81 : memref<128xf32, #tpu.memory_space<vmem>>) offsets(%dma_start3A_83 : memref<128xi32, #tpu.memory_space<vmem>>) semaphore(%arg22 : memref<!tpu.dma_semaphore, #tpu.memory_space<semaphore_mem>>)
    %dma_start3A_86 = arith.constant 256 : i32
    %dma_start3A_87 = arith.constant 0 : i32
    %dma_start3A_88 = tpu.memref_slice %arg14[%dma_start3A_86, %dma_start3A_87] : memref<512x32xf32, #tpu.memory_space<vmem>> -> memref<128x32xf32, #tpu.memory_space<vmem>>
    %dma_start3A_89 = arith.constant 256 : i32
    %dma_start3A_90 = tpu.memref_slice %arg11[%dma_start3A_89] : memref<512xi32, #tpu.memory_space<vmem>> -> memref<128xi32, #tpu.memory_space<vmem>>
    %dma_start3A_91 = arith.constant 0 : i32
    %dma_start3A_92 = arith.constant 0 : i32
    %dma_start3A_93 = tpu.memref_slice %arg5[%dma_start3A_91, %dma_start3A_92] : memref<1000000x32xf32, #tpu.memory_space<hbm>> -> memref<1000000x32xf32, #tpu.memory_space<hbm>>
    tpu.enqueue_indirect_dma source(%dma_start3A_93 : memref<1000000x32xf32, #tpu.memory_space<hbm>>) target(%dma_start3A_88 : memref<128x32xf32, #tpu.memory_space<vmem>>) offsets(%dma_start3A_90 : memref<128xi32, #tpu.memory_space<vmem>>) semaphore(%arg22 : memref<!tpu.dma_semaphore, #tpu.memory_space<semaphore_mem>>)
    %dma_start3A_94 = arith.constant 256 : i32
    %dma_start3A_95 = arith.constant 0 : i32
    %dma_start3A_96 = tpu.memref_slice %arg15[%dma_start3A_94, %dma_start3A_95] : memref<512x32xf32, #tpu.memory_space<vmem>> -> memref<128x32xf32, #tpu.memory_space<vmem>>
    %dma_start3A_97 = arith.constant 256 : i32
    %dma_start3A_98 = tpu.memref_slice %arg12[%dma_start3A_97] : memref<512xi32, #tpu.memory_space<vmem>> -> memref<128xi32, #tpu.memory_space<vmem>>
    %dma_start3A_99 = arith.constant 0 : i32
    %dma_start3A_100 = arith.constant 0 : i32
    %dma_start3A_101 = tpu.memref_slice %arg6[%dma_start3A_99, %dma_start3A_100] : memref<1000000x32xf32, #tpu.memory_space<hbm>> -> memref<1000000x32xf32, #tpu.memory_space<hbm>>
    tpu.enqueue_indirect_dma source(%dma_start3A_101 : memref<1000000x32xf32, #tpu.memory_space<hbm>>) target(%dma_start3A_96 : memref<128x32xf32, #tpu.memory_space<vmem>>) offsets(%dma_start3A_98 : memref<128xi32, #tpu.memory_space<vmem>>) semaphore(%arg22 : memref<!tpu.dma_semaphore, #tpu.memory_space<semaphore_mem>>)
    %dma_start3A_102 = arith.constant 256 : i32
    %dma_start3A_103 = arith.constant 0 : i32
    %dma_start3A_104 = tpu.memref_slice %arg16[%dma_start3A_102, %dma_start3A_103] : memref<512x32xf32, #tpu.memory_space<vmem>> -> memref<128x32xf32, #tpu.memory_space<vmem>>
    %dma_start3A_105 = arith.constant 256 : i32
    %dma_start3A_106 = tpu.memref_slice %arg13[%dma_start3A_105] : memref<512xi32, #tpu.memory_space<vmem>> -> memref<128xi32, #tpu.memory_space<vmem>>
    %dma_start3A_107 = arith.constant 0 : i32
    %dma_start3A_108 = arith.constant 0 : i32
    %dma_start3A_109 = tpu.memref_slice %arg6[%dma_start3A_107, %dma_start3A_108] : memref<1000000x32xf32, #tpu.memory_space<hbm>> -> memref<1000000x32xf32, #tpu.memory_space<hbm>>
    tpu.enqueue_indirect_dma source(%dma_start3A_109 : memref<1000000x32xf32, #tpu.memory_space<hbm>>) target(%dma_start3A_104 : memref<128x32xf32, #tpu.memory_space<vmem>>) offsets(%dma_start3A_106 : memref<128xi32, #tpu.memory_space<vmem>>) semaphore(%arg22 : memref<!tpu.dma_semaphore, #tpu.memory_space<semaphore_mem>>)
    %dma_start3A_110 = arith.constant 256 : i32
    %dma_start3A_111 = tpu.memref_slice %arg17[%dma_start3A_110] : memref<512xf32, #tpu.memory_space<vmem>> -> memref<128xf32, #tpu.memory_space<vmem>>
    %dma_start3A_112 = arith.constant 256 : i32
    %dma_start3A_113 = tpu.memref_slice %arg11[%dma_start3A_112] : memref<512xi32, #tpu.memory_space<vmem>> -> memref<128xi32, #tpu.memory_space<vmem>>
    %dma_start3A_114 = arith.constant 0 : i32
    %dma_start3A_115 = tpu.memref_slice %arg7[%dma_start3A_114] : memref<1000000xf32, #tpu.memory_space<hbm>> -> memref<1000000xf32, #tpu.memory_space<hbm>>
    tpu.enqueue_indirect_dma source(%dma_start3A_115 : memref<1000000xf32, #tpu.memory_space<hbm>>) target(%dma_start3A_111 : memref<128xf32, #tpu.memory_space<vmem>>) offsets(%dma_start3A_113 : memref<128xi32, #tpu.memory_space<vmem>>) semaphore(%arg22 : memref<!tpu.dma_semaphore, #tpu.memory_space<semaphore_mem>>)
    %dma_start3A_116 = arith.constant 256 : i32
    %dma_start3A_117 = tpu.memref_slice %arg18[%dma_start3A_116] : memref<512xf32, #tpu.memory_space<vmem>> -> memref<128xf32, #tpu.memory_space<vmem>>
    %dma_start3A_118 = arith.constant 256 : i32
    %dma_start3A_119 = tpu.memref_slice %arg12[%dma_start3A_118] : memref<512xi32, #tpu.memory_space<vmem>> -> memref<128xi32, #tpu.memory_space<vmem>>
    %dma_start3A_120 = arith.constant 0 : i32
    %dma_start3A_121 = tpu.memref_slice %arg8[%dma_start3A_120] : memref<1000000xf32, #tpu.memory_space<hbm>> -> memref<1000000xf32, #tpu.memory_space<hbm>>
    tpu.enqueue_indirect_dma source(%dma_start3A_121 : memref<1000000xf32, #tpu.memory_space<hbm>>) target(%dma_start3A_117 : memref<128xf32, #tpu.memory_space<vmem>>) offsets(%dma_start3A_119 : memref<128xi32, #tpu.memory_space<vmem>>) semaphore(%arg22 : memref<!tpu.dma_semaphore, #tpu.memory_space<semaphore_mem>>)
    %dma_start3A_122 = arith.constant 256 : i32
    %dma_start3A_123 = tpu.memref_slice %arg19[%dma_start3A_122] : memref<512xf32, #tpu.memory_space<vmem>> -> memref<128xf32, #tpu.memory_space<vmem>>
    %dma_start3A_124 = arith.constant 256 : i32
    %dma_start3A_125 = tpu.memref_slice %arg13[%dma_start3A_124] : memref<512xi32, #tpu.memory_space<vmem>> -> memref<128xi32, #tpu.memory_space<vmem>>
    %dma_start3A_126 = arith.constant 0 : i32
    %dma_start3A_127 = tpu.memref_slice %arg8[%dma_start3A_126] : memref<1000000xf32, #tpu.memory_space<hbm>> -> memref<1000000xf32, #tpu.memory_space<hbm>>
    tpu.enqueue_indirect_dma source(%dma_start3A_127 : memref<1000000xf32, #tpu.memory_space<hbm>>) target(%dma_start3A_123 : memref<128xf32, #tpu.memory_space<vmem>>) offsets(%dma_start3A_125 : memref<128xi32, #tpu.memory_space<vmem>>) semaphore(%arg22 : memref<!tpu.dma_semaphore, #tpu.memory_space<semaphore_mem>>)
    %dma_start3A_128 = arith.constant 384 : i32
    %dma_start3A_129 = arith.constant 0 : i32
    %dma_start3A_130 = tpu.memref_slice %arg14[%dma_start3A_128, %dma_start3A_129] : memref<512x32xf32, #tpu.memory_space<vmem>> -> memref<128x32xf32, #tpu.memory_space<vmem>>
    %dma_start3A_131 = arith.constant 384 : i32
    %dma_start3A_132 = tpu.memref_slice %arg11[%dma_start3A_131] : memref<512xi32, #tpu.memory_space<vmem>> -> memref<128xi32, #tpu.memory_space<vmem>>
    %dma_start3A_133 = arith.constant 0 : i32
    %dma_start3A_134 = arith.constant 0 : i32
    %dma_start3A_135 = tpu.memref_slice %arg5[%dma_start3A_133, %dma_start3A_134] : memref<1000000x32xf32, #tpu.memory_space<hbm>> -> memref<1000000x32xf32, #tpu.memory_space<hbm>>
    tpu.enqueue_indirect_dma source(%dma_start3A_135 : memref<1000000x32xf32, #tpu.memory_space<hbm>>) target(%dma_start3A_130 : memref<128x32xf32, #tpu.memory_space<vmem>>) offsets(%dma_start3A_132 : memref<128xi32, #tpu.memory_space<vmem>>) semaphore(%arg22 : memref<!tpu.dma_semaphore, #tpu.memory_space<semaphore_mem>>)
    %dma_start3A_136 = arith.constant 384 : i32
    %dma_start3A_137 = arith.constant 0 : i32
    %dma_start3A_138 = tpu.memref_slice %arg15[%dma_start3A_136, %dma_start3A_137] : memref<512x32xf32, #tpu.memory_space<vmem>> -> memref<128x32xf32, #tpu.memory_space<vmem>>
    %dma_start3A_139 = arith.constant 384 : i32
    %dma_start3A_140 = tpu.memref_slice %arg12[%dma_start3A_139] : memref<512xi32, #tpu.memory_space<vmem>> -> memref<128xi32, #tpu.memory_space<vmem>>
    %dma_start3A_141 = arith.constant 0 : i32
    %dma_start3A_142 = arith.constant 0 : i32
    %dma_start3A_143 = tpu.memref_slice %arg6[%dma_start3A_141, %dma_start3A_142] : memref<1000000x32xf32, #tpu.memory_space<hbm>> -> memref<1000000x32xf32, #tpu.memory_space<hbm>>
    tpu.enqueue_indirect_dma source(%dma_start3A_143 : memref<1000000x32xf32, #tpu.memory_space<hbm>>) target(%dma_start3A_138 : memref<128x32xf32, #tpu.memory_space<vmem>>) offsets(%dma_start3A_140 : memref<128xi32, #tpu.memory_space<vmem>>) semaphore(%arg22 : memref<!tpu.dma_semaphore, #tpu.memory_space<semaphore_mem>>)
    %dma_start3A_144 = arith.constant 384 : i32
    %dma_start3A_145 = arith.constant 0 : i32
    %dma_start3A_146 = tpu.memref_slice %arg16[%dma_start3A_144, %dma_start3A_145] : memref<512x32xf32, #tpu.memory_space<vmem>> -> memref<128x32xf32, #tpu.memory_space<vmem>>
    %dma_start3A_147 = arith.constant 384 : i32
    %dma_start3A_148 = tpu.memref_slice %arg13[%dma_start3A_147] : memref<512xi32, #tpu.memory_space<vmem>> -> memref<128xi32, #tpu.memory_space<vmem>>
    %dma_start3A_149 = arith.constant 0 : i32
    %dma_start3A_150 = arith.constant 0 : i32
    %dma_start3A_151 = tpu.memref_slice %arg6[%dma_start3A_149, %dma_start3A_150] : memref<1000000x32xf32, #tpu.memory_space<hbm>> -> memref<1000000x32xf32, #tpu.memory_space<hbm>>
    tpu.enqueue_indirect_dma source(%dma_start3A_151 : memref<1000000x32xf32, #tpu.memory_space<hbm>>) target(%dma_start3A_146 : memref<128x32xf32, #tpu.memory_space<vmem>>) offsets(%dma_start3A_148 : memref<128xi32, #tpu.memory_space<vmem>>) semaphore(%arg22 : memref<!tpu.dma_semaphore, #tpu.memory_space<semaphore_mem>>)
    %dma_start3A_152 = arith.constant 384 : i32
    %dma_start3A_153 = tpu.memref_slice %arg17[%dma_start3A_152] : memref<512xf32, #tpu.memory_space<vmem>> -> memref<128xf32, #tpu.memory_space<vmem>>
    %dma_start3A_154 = arith.constant 384 : i32
    %dma_start3A_155 = tpu.memref_slice %arg11[%dma_start3A_154] : memref<512xi32, #tpu.memory_space<vmem>> -> memref<128xi32, #tpu.memory_space<vmem>>
    %dma_start3A_156 = arith.constant 0 : i32
    %dma_start3A_157 = tpu.memref_slice %arg7[%dma_start3A_156] : memref<1000000xf32, #tpu.memory_space<hbm>> -> memref<1000000xf32, #tpu.memory_space<hbm>>
    tpu.enqueue_indirect_dma source(%dma_start3A_157 : memref<1000000xf32, #tpu.memory_space<hbm>>) target(%dma_start3A_153 : memref<128xf32, #tpu.memory_space<vmem>>) offsets(%dma_start3A_155 : memref<128xi32, #tpu.memory_space<vmem>>) semaphore(%arg22 : memref<!tpu.dma_semaphore, #tpu.memory_space<semaphore_mem>>)
    %dma_start3A_158 = arith.constant 384 : i32
    %dma_start3A_159 = tpu.memref_slice %arg18[%dma_start3A_158] : memref<512xf32, #tpu.memory_space<vmem>> -> memref<128xf32, #tpu.memory_space<vmem>>
    %dma_start3A_160 = arith.constant 384 : i32
    %dma_start3A_161 = tpu.memref_slice %arg12[%dma_start3A_160] : memref<512xi32, #tpu.memory_space<vmem>> -> memref<128xi32, #tpu.memory_space<vmem>>
    %dma_start3A_162 = arith.constant 0 : i32
    %dma_start3A_163 = tpu.memref_slice %arg8[%dma_start3A_162] : memref<1000000xf32, #tpu.memory_space<hbm>> -> memref<1000000xf32, #tpu.memory_space<hbm>>
    tpu.enqueue_indirect_dma source(%dma_start3A_163 : memref<1000000xf32, #tpu.memory_space<hbm>>) target(%dma_start3A_159 : memref<128xf32, #tpu.memory_space<vmem>>) offsets(%dma_start3A_161 : memref<128xi32, #tpu.memory_space<vmem>>) semaphore(%arg22 : memref<!tpu.dma_semaphore, #tpu.memory_space<semaphore_mem>>)
    %dma_start3A_164 = arith.constant 384 : i32
    %dma_start3A_165 = tpu.memref_slice %arg19[%dma_start3A_164] : memref<512xf32, #tpu.memory_space<vmem>> -> memref<128xf32, #tpu.memory_space<vmem>>
    %dma_start3A_166 = arith.constant 384 : i32
    %dma_start3A_167 = tpu.memref_slice %arg13[%dma_start3A_166] : memref<512xi32, #tpu.memory_space<vmem>> -> memref<128xi32, #tpu.memory_space<vmem>>
    %dma_start3A_168 = arith.constant 0 : i32
    %dma_start3A_169 = tpu.memref_slice %arg8[%dma_start3A_168] : memref<1000000xf32, #tpu.memory_space<hbm>> -> memref<1000000xf32, #tpu.memory_space<hbm>>
    tpu.enqueue_indirect_dma source(%dma_start3A_169 : memref<1000000xf32, #tpu.memory_space<hbm>>) target(%dma_start3A_165 : memref<128xf32, #tpu.memory_space<vmem>>) offsets(%dma_start3A_167 : memref<128xi32, #tpu.memory_space<vmem>>) semaphore(%arg22 : memref<!tpu.dma_semaphore, #tpu.memory_space<semaphore_mem>>)
    %dma_wait3A = arith.constant 0 : i32
    %dma_wait3A_170 = arith.constant 0 : i32
    %dma_wait3A_171 = tpu.memref_slice %arg14[%dma_wait3A, %dma_wait3A_170] : memref<512x32xf32, #tpu.memory_space<vmem>> -> memref<128x32xf32, #tpu.memory_space<vmem>>
    %dma_wait3A_172 = arith.constant 0 : i32
    %dma_wait3A_173 = tpu.memref_slice %arg11[%dma_wait3A_172] : memref<512xi32, #tpu.memory_space<vmem>> -> memref<128xi32, #tpu.memory_space<vmem>>
    %dma_wait3A_174 = arith.constant 0 : i32
    %dma_wait3A_175 = arith.constant 0 : i32
    %dma_wait3A_176 = tpu.memref_slice %arg5[%dma_wait3A_174, %dma_wait3A_175] : memref<1000000x32xf32, #tpu.memory_space<hbm>> -> memref<1000000x32xf32, #tpu.memory_space<hbm>>
    tpu.wait_indirect_dma semaphore(%arg22 : memref<!tpu.dma_semaphore, #tpu.memory_space<semaphore_mem>>) src(%dma_wait3A_176 : memref<1000000x32xf32, #tpu.memory_space<hbm>>) dst(%dma_wait3A_171 : memref<128x32xf32, #tpu.memory_space<vmem>>)
    %dma_wait3A_177 = arith.constant 0 : i32
    %dma_wait3A_178 = arith.constant 0 : i32
    %dma_wait3A_179 = tpu.memref_slice %arg15[%dma_wait3A_177, %dma_wait3A_178] : memref<512x32xf32, #tpu.memory_space<vmem>> -> memref<128x32xf32, #tpu.memory_space<vmem>>
    %dma_wait3A_180 = arith.constant 0 : i32
    %dma_wait3A_181 = tpu.memref_slice %arg12[%dma_wait3A_180] : memref<512xi32, #tpu.memory_space<vmem>> -> memref<128xi32, #tpu.memory_space<vmem>>
    %dma_wait3A_182 = arith.constant 0 : i32
    %dma_wait3A_183 = arith.constant 0 : i32
    %dma_wait3A_184 = tpu.memref_slice %arg6[%dma_wait3A_182, %dma_wait3A_183] : memref<1000000x32xf32, #tpu.memory_space<hbm>> -> memref<1000000x32xf32, #tpu.memory_space<hbm>>
    tpu.wait_indirect_dma semaphore(%arg22 : memref<!tpu.dma_semaphore, #tpu.memory_space<semaphore_mem>>) src(%dma_wait3A_184 : memref<1000000x32xf32, #tpu.memory_space<hbm>>) dst(%dma_wait3A_179 : memref<128x32xf32, #tpu.memory_space<vmem>>)
    %dma_wait3A_185 = arith.constant 0 : i32
    %dma_wait3A_186 = arith.constant 0 : i32
    %dma_wait3A_187 = tpu.memref_slice %arg16[%dma_wait3A_185, %dma_wait3A_186] : memref<512x32xf32, #tpu.memory_space<vmem>> -> memref<128x32xf32, #tpu.memory_space<vmem>>
    %dma_wait3A_188 = arith.constant 0 : i32
    %dma_wait3A_189 = tpu.memref_slice %arg13[%dma_wait3A_188] : memref<512xi32, #tpu.memory_space<vmem>> -> memref<128xi32, #tpu.memory_space<vmem>>
    %dma_wait3A_190 = arith.constant 0 : i32
    %dma_wait3A_191 = arith.constant 0 : i32
    %dma_wait3A_192 = tpu.memref_slice %arg6[%dma_wait3A_190, %dma_wait3A_191] : memref<1000000x32xf32, #tpu.memory_space<hbm>> -> memref<1000000x32xf32, #tpu.memory_space<hbm>>
    tpu.wait_indirect_dma semaphore(%arg22 : memref<!tpu.dma_semaphore, #tpu.memory_space<semaphore_mem>>) src(%dma_wait3A_192 : memref<1000000x32xf32, #tpu.memory_space<hbm>>) dst(%dma_wait3A_187 : memref<128x32xf32, #tpu.memory_space<vmem>>)
    %dma_wait3A_193 = arith.constant 0 : i32
    %dma_wait3A_194 = tpu.memref_slice %arg17[%dma_wait3A_193] : memref<512xf32, #tpu.memory_space<vmem>> -> memref<128xf32, #tpu.memory_space<vmem>>
    %dma_wait3A_195 = arith.constant 0 : i32
    %dma_wait3A_196 = tpu.memref_slice %arg11[%dma_wait3A_195] : memref<512xi32, #tpu.memory_space<vmem>> -> memref<128xi32, #tpu.memory_space<vmem>>
    %dma_wait3A_197 = arith.constant 0 : i32
    %dma_wait3A_198 = tpu.memref_slice %arg7[%dma_wait3A_197] : memref<1000000xf32, #tpu.memory_space<hbm>> -> memref<1000000xf32, #tpu.memory_space<hbm>>
    tpu.wait_indirect_dma semaphore(%arg22 : memref<!tpu.dma_semaphore, #tpu.memory_space<semaphore_mem>>) src(%dma_wait3A_198 : memref<1000000xf32, #tpu.memory_space<hbm>>) dst(%dma_wait3A_194 : memref<128xf32, #tpu.memory_space<vmem>>)
    %dma_wait3A_199 = arith.constant 0 : i32
    %dma_wait3A_200 = tpu.memref_slice %arg18[%dma_wait3A_199] : memref<512xf32, #tpu.memory_space<vmem>> -> memref<128xf32, #tpu.memory_space<vmem>>
    %dma_wait3A_201 = arith.constant 0 : i32
    %dma_wait3A_202 = tpu.memref_slice %arg12[%dma_wait3A_201] : memref<512xi32, #tpu.memory_space<vmem>> -> memref<128xi32, #tpu.memory_space<vmem>>
    %dma_wait3A_203 = arith.constant 0 : i32
    %dma_wait3A_204 = tpu.memref_slice %arg8[%dma_wait3A_203] : memref<1000000xf32, #tpu.memory_space<hbm>> -> memref<1000000xf32, #tpu.memory_space<hbm>>
    tpu.wait_indirect_dma semaphore(%arg22 : memref<!tpu.dma_semaphore, #tpu.memory_space<semaphore_mem>>) src(%dma_wait3A_204 : memref<1000000xf32, #tpu.memory_space<hbm>>) dst(%dma_wait3A_200 : memref<128xf32, #tpu.memory_space<vmem>>)
    %dma_wait3A_205 = arith.constant 0 : i32
    %dma_wait3A_206 = tpu.memref_slice %arg19[%dma_wait3A_205] : memref<512xf32, #tpu.memory_space<vmem>> -> memref<128xf32, #tpu.memory_space<vmem>>
    %dma_wait3A_207 = arith.constant 0 : i32
    %dma_wait3A_208 = tpu.memref_slice %arg13[%dma_wait3A_207] : memref<512xi32, #tpu.memory_space<vmem>> -> memref<128xi32, #tpu.memory_space<vmem>>
    %dma_wait3A_209 = arith.constant 0 : i32
    %dma_wait3A_210 = tpu.memref_slice %arg8[%dma_wait3A_209] : memref<1000000xf32, #tpu.memory_space<hbm>> -> memref<1000000xf32, #tpu.memory_space<hbm>>
    tpu.wait_indirect_dma semaphore(%arg22 : memref<!tpu.dma_semaphore, #tpu.memory_space<semaphore_mem>>) src(%dma_wait3A_210 : memref<1000000xf32, #tpu.memory_space<hbm>>) dst(%dma_wait3A_206 : memref<128xf32, #tpu.memory_space<vmem>>)
    %dma_wait3A_211 = arith.constant 128 : i32
    %dma_wait3A_212 = arith.constant 0 : i32
    %dma_wait3A_213 = tpu.memref_slice %arg14[%dma_wait3A_211, %dma_wait3A_212] : memref<512x32xf32, #tpu.memory_space<vmem>> -> memref<128x32xf32, #tpu.memory_space<vmem>>
    %dma_wait3A_214 = arith.constant 128 : i32
    %dma_wait3A_215 = tpu.memref_slice %arg11[%dma_wait3A_214] : memref<512xi32, #tpu.memory_space<vmem>> -> memref<128xi32, #tpu.memory_space<vmem>>
    %dma_wait3A_216 = arith.constant 0 : i32
    %dma_wait3A_217 = arith.constant 0 : i32
    %dma_wait3A_218 = tpu.memref_slice %arg5[%dma_wait3A_216, %dma_wait3A_217] : memref<1000000x32xf32, #tpu.memory_space<hbm>> -> memref<1000000x32xf32, #tpu.memory_space<hbm>>
    tpu.wait_indirect_dma semaphore(%arg22 : memref<!tpu.dma_semaphore, #tpu.memory_space<semaphore_mem>>) src(%dma_wait3A_218 : memref<1000000x32xf32, #tpu.memory_space<hbm>>) dst(%dma_wait3A_213 : memref<128x32xf32, #tpu.memory_space<vmem>>)
    %dma_wait3A_219 = arith.constant 128 : i32
    %dma_wait3A_220 = arith.constant 0 : i32
    %dma_wait3A_221 = tpu.memref_slice %arg15[%dma_wait3A_219, %dma_wait3A_220] : memref<512x32xf32, #tpu.memory_space<vmem>> -> memref<128x32xf32, #tpu.memory_space<vmem>>
    %dma_wait3A_222 = arith.constant 128 : i32
    %dma_wait3A_223 = tpu.memref_slice %arg12[%dma_wait3A_222] : memref<512xi32, #tpu.memory_space<vmem>> -> memref<128xi32, #tpu.memory_space<vmem>>
    %dma_wait3A_224 = arith.constant 0 : i32
    %dma_wait3A_225 = arith.constant 0 : i32
    %dma_wait3A_226 = tpu.memref_slice %arg6[%dma_wait3A_224, %dma_wait3A_225] : memref<1000000x32xf32, #tpu.memory_space<hbm>> -> memref<1000000x32xf32, #tpu.memory_space<hbm>>
    tpu.wait_indirect_dma semaphore(%arg22 : memref<!tpu.dma_semaphore, #tpu.memory_space<semaphore_mem>>) src(%dma_wait3A_226 : memref<1000000x32xf32, #tpu.memory_space<hbm>>) dst(%dma_wait3A_221 : memref<128x32xf32, #tpu.memory_space<vmem>>)
    %dma_wait3A_227 = arith.constant 128 : i32
    %dma_wait3A_228 = arith.constant 0 : i32
    %dma_wait3A_229 = tpu.memref_slice %arg16[%dma_wait3A_227, %dma_wait3A_228] : memref<512x32xf32, #tpu.memory_space<vmem>> -> memref<128x32xf32, #tpu.memory_space<vmem>>
    %dma_wait3A_230 = arith.constant 128 : i32
    %dma_wait3A_231 = tpu.memref_slice %arg13[%dma_wait3A_230] : memref<512xi32, #tpu.memory_space<vmem>> -> memref<128xi32, #tpu.memory_space<vmem>>
    %dma_wait3A_232 = arith.constant 0 : i32
    %dma_wait3A_233 = arith.constant 0 : i32
    %dma_wait3A_234 = tpu.memref_slice %arg6[%dma_wait3A_232, %dma_wait3A_233] : memref<1000000x32xf32, #tpu.memory_space<hbm>> -> memref<1000000x32xf32, #tpu.memory_space<hbm>>
    tpu.wait_indirect_dma semaphore(%arg22 : memref<!tpu.dma_semaphore, #tpu.memory_space<semaphore_mem>>) src(%dma_wait3A_234 : memref<1000000x32xf32, #tpu.memory_space<hbm>>) dst(%dma_wait3A_229 : memref<128x32xf32, #tpu.memory_space<vmem>>)
    %dma_wait3A_235 = arith.constant 128 : i32
    %dma_wait3A_236 = tpu.memref_slice %arg17[%dma_wait3A_235] : memref<512xf32, #tpu.memory_space<vmem>> -> memref<128xf32, #tpu.memory_space<vmem>>
    %dma_wait3A_237 = arith.constant 128 : i32
    %dma_wait3A_238 = tpu.memref_slice %arg11[%dma_wait3A_237] : memref<512xi32, #tpu.memory_space<vmem>> -> memref<128xi32, #tpu.memory_space<vmem>>
    %dma_wait3A_239 = arith.constant 0 : i32
    %dma_wait3A_240 = tpu.memref_slice %arg7[%dma_wait3A_239] : memref<1000000xf32, #tpu.memory_space<hbm>> -> memref<1000000xf32, #tpu.memory_space<hbm>>
    tpu.wait_indirect_dma semaphore(%arg22 : memref<!tpu.dma_semaphore, #tpu.memory_space<semaphore_mem>>) src(%dma_wait3A_240 : memref<1000000xf32, #tpu.memory_space<hbm>>) dst(%dma_wait3A_236 : memref<128xf32, #tpu.memory_space<vmem>>)
    %dma_wait3A_241 = arith.constant 128 : i32
    %dma_wait3A_242 = tpu.memref_slice %arg18[%dma_wait3A_241] : memref<512xf32, #tpu.memory_space<vmem>> -> memref<128xf32, #tpu.memory_space<vmem>>
    %dma_wait3A_243 = arith.constant 128 : i32
    %dma_wait3A_244 = tpu.memref_slice %arg12[%dma_wait3A_243] : memref<512xi32, #tpu.memory_space<vmem>> -> memref<128xi32, #tpu.memory_space<vmem>>
    %dma_wait3A_245 = arith.constant 0 : i32
    %dma_wait3A_246 = tpu.memref_slice %arg8[%dma_wait3A_245] : memref<1000000xf32, #tpu.memory_space<hbm>> -> memref<1000000xf32, #tpu.memory_space<hbm>>
    tpu.wait_indirect_dma semaphore(%arg22 : memref<!tpu.dma_semaphore, #tpu.memory_space<semaphore_mem>>) src(%dma_wait3A_246 : memref<1000000xf32, #tpu.memory_space<hbm>>) dst(%dma_wait3A_242 : memref<128xf32, #tpu.memory_space<vmem>>)
    %dma_wait3A_247 = arith.constant 128 : i32
    %dma_wait3A_248 = tpu.memref_slice %arg19[%dma_wait3A_247] : memref<512xf32, #tpu.memory_space<vmem>> -> memref<128xf32, #tpu.memory_space<vmem>>
    %dma_wait3A_249 = arith.constant 128 : i32
    %dma_wait3A_250 = tpu.memref_slice %arg13[%dma_wait3A_249] : memref<512xi32, #tpu.memory_space<vmem>> -> memref<128xi32, #tpu.memory_space<vmem>>
    %dma_wait3A_251 = arith.constant 0 : i32
    %dma_wait3A_252 = tpu.memref_slice %arg8[%dma_wait3A_251] : memref<1000000xf32, #tpu.memory_space<hbm>> -> memref<1000000xf32, #tpu.memory_space<hbm>>
    tpu.wait_indirect_dma semaphore(%arg22 : memref<!tpu.dma_semaphore, #tpu.memory_space<semaphore_mem>>) src(%dma_wait3A_252 : memref<1000000xf32, #tpu.memory_space<hbm>>) dst(%dma_wait3A_248 : memref<128xf32, #tpu.memory_space<vmem>>)
    %dma_wait3A_253 = arith.constant 256 : i32
    %dma_wait3A_254 = arith.constant 0 : i32
    %dma_wait3A_255 = tpu.memref_slice %arg14[%dma_wait3A_253, %dma_wait3A_254] : memref<512x32xf32, #tpu.memory_space<vmem>> -> memref<128x32xf32, #tpu.memory_space<vmem>>
    %dma_wait3A_256 = arith.constant 256 : i32
    %dma_wait3A_257 = tpu.memref_slice %arg11[%dma_wait3A_256] : memref<512xi32, #tpu.memory_space<vmem>> -> memref<128xi32, #tpu.memory_space<vmem>>
    %dma_wait3A_258 = arith.constant 0 : i32
    %dma_wait3A_259 = arith.constant 0 : i32
    %dma_wait3A_260 = tpu.memref_slice %arg5[%dma_wait3A_258, %dma_wait3A_259] : memref<1000000x32xf32, #tpu.memory_space<hbm>> -> memref<1000000x32xf32, #tpu.memory_space<hbm>>
    tpu.wait_indirect_dma semaphore(%arg22 : memref<!tpu.dma_semaphore, #tpu.memory_space<semaphore_mem>>) src(%dma_wait3A_260 : memref<1000000x32xf32, #tpu.memory_space<hbm>>) dst(%dma_wait3A_255 : memref<128x32xf32, #tpu.memory_space<vmem>>)
    %dma_wait3A_261 = arith.constant 256 : i32
    %dma_wait3A_262 = arith.constant 0 : i32
    %dma_wait3A_263 = tpu.memref_slice %arg15[%dma_wait3A_261, %dma_wait3A_262] : memref<512x32xf32, #tpu.memory_space<vmem>> -> memref<128x32xf32, #tpu.memory_space<vmem>>
    %dma_wait3A_264 = arith.constant 256 : i32
    %dma_wait3A_265 = tpu.memref_slice %arg12[%dma_wait3A_264] : memref<512xi32, #tpu.memory_space<vmem>> -> memref<128xi32, #tpu.memory_space<vmem>>
    %dma_wait3A_266 = arith.constant 0 : i32
    %dma_wait3A_267 = arith.constant 0 : i32
    %dma_wait3A_268 = tpu.memref_slice %arg6[%dma_wait3A_266, %dma_wait3A_267] : memref<1000000x32xf32, #tpu.memory_space<hbm>> -> memref<1000000x32xf32, #tpu.memory_space<hbm>>
    tpu.wait_indirect_dma semaphore(%arg22 : memref<!tpu.dma_semaphore, #tpu.memory_space<semaphore_mem>>) src(%dma_wait3A_268 : memref<1000000x32xf32, #tpu.memory_space<hbm>>) dst(%dma_wait3A_263 : memref<128x32xf32, #tpu.memory_space<vmem>>)
    %dma_wait3A_269 = arith.constant 256 : i32
    %dma_wait3A_270 = arith.constant 0 : i32
    %dma_wait3A_271 = tpu.memref_slice %arg16[%dma_wait3A_269, %dma_wait3A_270] : memref<512x32xf32, #tpu.memory_space<vmem>> -> memref<128x32xf32, #tpu.memory_space<vmem>>
    %dma_wait3A_272 = arith.constant 256 : i32
    %dma_wait3A_273 = tpu.memref_slice %arg13[%dma_wait3A_272] : memref<512xi32, #tpu.memory_space<vmem>> -> memref<128xi32, #tpu.memory_space<vmem>>
    %dma_wait3A_274 = arith.constant 0 : i32
    %dma_wait3A_275 = arith.constant 0 : i32
    %dma_wait3A_276 = tpu.memref_slice %arg6[%dma_wait3A_274, %dma_wait3A_275] : memref<1000000x32xf32, #tpu.memory_space<hbm>> -> memref<1000000x32xf32, #tpu.memory_space<hbm>>
    tpu.wait_indirect_dma semaphore(%arg22 : memref<!tpu.dma_semaphore, #tpu.memory_space<semaphore_mem>>) src(%dma_wait3A_276 : memref<1000000x32xf32, #tpu.memory_space<hbm>>) dst(%dma_wait3A_271 : memref<128x32xf32, #tpu.memory_space<vmem>>)
    %dma_wait3A_277 = arith.constant 256 : i32
    %dma_wait3A_278 = tpu.memref_slice %arg17[%dma_wait3A_277] : memref<512xf32, #tpu.memory_space<vmem>> -> memref<128xf32, #tpu.memory_space<vmem>>
    %dma_wait3A_279 = arith.constant 256 : i32
    %dma_wait3A_280 = tpu.memref_slice %arg11[%dma_wait3A_279] : memref<512xi32, #tpu.memory_space<vmem>> -> memref<128xi32, #tpu.memory_space<vmem>>
    %dma_wait3A_281 = arith.constant 0 : i32
    %dma_wait3A_282 = tpu.memref_slice %arg7[%dma_wait3A_281] : memref<1000000xf32, #tpu.memory_space<hbm>> -> memref<1000000xf32, #tpu.memory_space<hbm>>
    tpu.wait_indirect_dma semaphore(%arg22 : memref<!tpu.dma_semaphore, #tpu.memory_space<semaphore_mem>>) src(%dma_wait3A_282 : memref<1000000xf32, #tpu.memory_space<hbm>>) dst(%dma_wait3A_278 : memref<128xf32, #tpu.memory_space<vmem>>)
    %dma_wait3A_283 = arith.constant 256 : i32
    %dma_wait3A_284 = tpu.memref_slice %arg18[%dma_wait3A_283] : memref<512xf32, #tpu.memory_space<vmem>> -> memref<128xf32, #tpu.memory_space<vmem>>
    %dma_wait3A_285 = arith.constant 256 : i32
    %dma_wait3A_286 = tpu.memref_slice %arg12[%dma_wait3A_285] : memref<512xi32, #tpu.memory_space<vmem>> -> memref<128xi32, #tpu.memory_space<vmem>>
    %dma_wait3A_287 = arith.constant 0 : i32
    %dma_wait3A_288 = tpu.memref_slice %arg8[%dma_wait3A_287] : memref<1000000xf32, #tpu.memory_space<hbm>> -> memref<1000000xf32, #tpu.memory_space<hbm>>
    tpu.wait_indirect_dma semaphore(%arg22 : memref<!tpu.dma_semaphore, #tpu.memory_space<semaphore_mem>>) src(%dma_wait3A_288 : memref<1000000xf32, #tpu.memory_space<hbm>>) dst(%dma_wait3A_284 : memref<128xf32, #tpu.memory_space<vmem>>)
    %dma_wait3A_289 = arith.constant 256 : i32
    %dma_wait3A_290 = tpu.memref_slice %arg19[%dma_wait3A_289] : memref<512xf32, #tpu.memory_space<vmem>> -> memref<128xf32, #tpu.memory_space<vmem>>
    %dma_wait3A_291 = arith.constant 256 : i32
    %dma_wait3A_292 = tpu.memref_slice %arg13[%dma_wait3A_291] : memref<512xi32, #tpu.memory_space<vmem>> -> memref<128xi32, #tpu.memory_space<vmem>>
    %dma_wait3A_293 = arith.constant 0 : i32
    %dma_wait3A_294 = tpu.memref_slice %arg8[%dma_wait3A_293] : memref<1000000xf32, #tpu.memory_space<hbm>> -> memref<1000000xf32, #tpu.memory_space<hbm>>
    tpu.wait_indirect_dma semaphore(%arg22 : memref<!tpu.dma_semaphore, #tpu.memory_space<semaphore_mem>>) src(%dma_wait3A_294 : memref<1000000xf32, #tpu.memory_space<hbm>>) dst(%dma_wait3A_290 : memref<128xf32, #tpu.memory_space<vmem>>)
    %dma_wait3A_295 = arith.constant 384 : i32
    %dma_wait3A_296 = arith.constant 0 : i32
    %dma_wait3A_297 = tpu.memref_slice %arg14[%dma_wait3A_295, %dma_wait3A_296] : memref<512x32xf32, #tpu.memory_space<vmem>> -> memref<128x32xf32, #tpu.memory_space<vmem>>
    %dma_wait3A_298 = arith.constant 384 : i32
    %dma_wait3A_299 = tpu.memref_slice %arg11[%dma_wait3A_298] : memref<512xi32, #tpu.memory_space<vmem>> -> memref<128xi32, #tpu.memory_space<vmem>>
    %dma_wait3A_300 = arith.constant 0 : i32
    %dma_wait3A_301 = arith.constant 0 : i32
    %dma_wait3A_302 = tpu.memref_slice %arg5[%dma_wait3A_300, %dma_wait3A_301] : memref<1000000x32xf32, #tpu.memory_space<hbm>> -> memref<1000000x32xf32, #tpu.memory_space<hbm>>
    tpu.wait_indirect_dma semaphore(%arg22 : memref<!tpu.dma_semaphore, #tpu.memory_space<semaphore_mem>>) src(%dma_wait3A_302 : memref<1000000x32xf32, #tpu.memory_space<hbm>>) dst(%dma_wait3A_297 : memref<128x32xf32, #tpu.memory_space<vmem>>)
    %dma_wait3A_303 = arith.constant 384 : i32
    %dma_wait3A_304 = arith.constant 0 : i32
    %dma_wait3A_305 = tpu.memref_slice %arg15[%dma_wait3A_303, %dma_wait3A_304] : memref<512x32xf32, #tpu.memory_space<vmem>> -> memref<128x32xf32, #tpu.memory_space<vmem>>
    %dma_wait3A_306 = arith.constant 384 : i32
    %dma_wait3A_307 = tpu.memref_slice %arg12[%dma_wait3A_306] : memref<512xi32, #tpu.memory_space<vmem>> -> memref<128xi32, #tpu.memory_space<vmem>>
    %dma_wait3A_308 = arith.constant 0 : i32
    %dma_wait3A_309 = arith.constant 0 : i32
    %dma_wait3A_310 = tpu.memref_slice %arg6[%dma_wait3A_308, %dma_wait3A_309] : memref<1000000x32xf32, #tpu.memory_space<hbm>> -> memref<1000000x32xf32, #tpu.memory_space<hbm>>
    tpu.wait_indirect_dma semaphore(%arg22 : memref<!tpu.dma_semaphore, #tpu.memory_space<semaphore_mem>>) src(%dma_wait3A_310 : memref<1000000x32xf32, #tpu.memory_space<hbm>>) dst(%dma_wait3A_305 : memref<128x32xf32, #tpu.memory_space<vmem>>)
    %dma_wait3A_311 = arith.constant 384 : i32
    %dma_wait3A_312 = arith.constant 0 : i32
    %dma_wait3A_313 = tpu.memref_slice %arg16[%dma_wait3A_311, %dma_wait3A_312] : memref<512x32xf32, #tpu.memory_space<vmem>> -> memref<128x32xf32, #tpu.memory_space<vmem>>
    %dma_wait3A_314 = arith.constant 384 : i32
    %dma_wait3A_315 = tpu.memref_slice %arg13[%dma_wait3A_314] : memref<512xi32, #tpu.memory_space<vmem>> -> memref<128xi32, #tpu.memory_space<vmem>>
    %dma_wait3A_316 = arith.constant 0 : i32
    %dma_wait3A_317 = arith.constant 0 : i32
    %dma_wait3A_318 = tpu.memref_slice %arg6[%dma_wait3A_316, %dma_wait3A_317] : memref<1000000x32xf32, #tpu.memory_space<hbm>> -> memref<1000000x32xf32, #tpu.memory_space<hbm>>
    tpu.wait_indirect_dma semaphore(%arg22 : memref<!tpu.dma_semaphore, #tpu.memory_space<semaphore_mem>>) src(%dma_wait3A_318 : memref<1000000x32xf32, #tpu.memory_space<hbm>>) dst(%dma_wait3A_313 : memref<128x32xf32, #tpu.memory_space<vmem>>)
    %dma_wait3A_319 = arith.constant 384 : i32
    %dma_wait3A_320 = tpu.memref_slice %arg17[%dma_wait3A_319] : memref<512xf32, #tpu.memory_space<vmem>> -> memref<128xf32, #tpu.memory_space<vmem>>
    %dma_wait3A_321 = arith.constant 384 : i32
    %dma_wait3A_322 = tpu.memref_slice %arg11[%dma_wait3A_321] : memref<512xi32, #tpu.memory_space<vmem>> -> memref<128xi32, #tpu.memory_space<vmem>>
    %dma_wait3A_323 = arith.constant 0 : i32
    %dma_wait3A_324 = tpu.memref_slice %arg7[%dma_wait3A_323] : memref<1000000xf32, #tpu.memory_space<hbm>> -> memref<1000000xf32, #tpu.memory_space<hbm>>
    tpu.wait_indirect_dma semaphore(%arg22 : memref<!tpu.dma_semaphore, #tpu.memory_space<semaphore_mem>>) src(%dma_wait3A_324 : memref<1000000xf32, #tpu.memory_space<hbm>>) dst(%dma_wait3A_320 : memref<128xf32, #tpu.memory_space<vmem>>)
    %dma_wait3A_325 = arith.constant 384 : i32
    %dma_wait3A_326 = tpu.memref_slice %arg18[%dma_wait3A_325] : memref<512xf32, #tpu.memory_space<vmem>> -> memref<128xf32, #tpu.memory_space<vmem>>
    %dma_wait3A_327 = arith.constant 384 : i32
    %dma_wait3A_328 = tpu.memref_slice %arg12[%dma_wait3A_327] : memref<512xi32, #tpu.memory_space<vmem>> -> memref<128xi32, #tpu.memory_space<vmem>>
    %dma_wait3A_329 = arith.constant 0 : i32
    %dma_wait3A_330 = tpu.memref_slice %arg8[%dma_wait3A_329] : memref<1000000xf32, #tpu.memory_space<hbm>> -> memref<1000000xf32, #tpu.memory_space<hbm>>
    tpu.wait_indirect_dma semaphore(%arg22 : memref<!tpu.dma_semaphore, #tpu.memory_space<semaphore_mem>>) src(%dma_wait3A_330 : memref<1000000xf32, #tpu.memory_space<hbm>>) dst(%dma_wait3A_326 : memref<128xf32, #tpu.memory_space<vmem>>)
    %dma_wait3A_331 = arith.constant 384 : i32
    %dma_wait3A_332 = tpu.memref_slice %arg19[%dma_wait3A_331] : memref<512xf32, #tpu.memory_space<vmem>> -> memref<128xf32, #tpu.memory_space<vmem>>
    %dma_wait3A_333 = arith.constant 384 : i32
    %dma_wait3A_334 = tpu.memref_slice %arg13[%dma_wait3A_333] : memref<512xi32, #tpu.memory_space<vmem>> -> memref<128xi32, #tpu.memory_space<vmem>>
    %dma_wait3A_335 = arith.constant 0 : i32
    %dma_wait3A_336 = tpu.memref_slice %arg8[%dma_wait3A_335] : memref<1000000xf32, #tpu.memory_space<hbm>> -> memref<1000000xf32, #tpu.memory_space<hbm>>
    tpu.wait_indirect_dma semaphore(%arg22 : memref<!tpu.dma_semaphore, #tpu.memory_space<semaphore_mem>>) src(%dma_wait3A_336 : memref<1000000xf32, #tpu.memory_space<hbm>>) dst(%dma_wait3A_332 : memref<128xf32, #tpu.memory_space<vmem>>)
    %iota3A = tpu.iota {dimensions = array<i32: 0>} : vector<16xi32>
    %scan3A = arith.constant 0 : i32
    %scan3A_337 = arith.constant 0 : i32
    %scan3A_338 = arith.constant 32 : i32
    %scan3A_339 = arith.addi %scan3A_337, %scan3A_338 : i32
    %scan3A_340 = arith.constant 1 : i32
    scf.for %scan3A_342 = %scan3A_337 to %scan3A_339 step %scan3A_340  : i32 {
      %mul3A_343 = arith.constant 16 : i32
      %mul3A_344 = arith.muli %scan3A_342, %mul3A_343 : i32
      %multiple_of3A = tpu.assume_multiple %mul3A_344, 16 : i32
      %get3A = arith.index_cast %multiple_of3A : i32 to index
      %get3A_345 = tpu.vector_load %arg17[%get3A] {strides = array<i32>} : memref<512xf32, #tpu.memory_space<vmem>>, vector<16xf32>,
      %get3A_346 = arith.index_cast %multiple_of3A : i32 to index
      %get3A_347 = tpu.vector_load %arg18[%get3A_346] {strides = array<i32>} : memref<512xf32, #tpu.memory_space<vmem>>, vector<16xf32>,
      %add3A_348 = arith.addf %get3A_345, %get3A_347 : vector<16xf32>
      %get3A_349 = arith.index_cast %multiple_of3A : i32 to index
      %get3A_350 = tpu.vector_load %arg19[%get3A_349] {strides = array<i32>} : memref<512xf32, #tpu.memory_space<vmem>>, vector<16xf32>,
      %add3A_351 = arith.addf %get3A_345, %get3A_350 : vector<16xf32>
      %mul3A_352 = arith.constant 16 : i32
      %mul3A_353 = arith.muli %scan3A_342, %mul3A_352 : i32
      %add3A_354 = arith.constant 0 : i32
      %add3A_355 = arith.addi %mul3A_353, %add3A_354 : i32
      %get3A_356 = arith.index_cast %add3A_355 : i32 to index
      %get3A_357 = arith.constant 0 : index
      %get3A_358 = tpu.vector_load %arg14[%get3A_356, %get3A_357] {strides = array<i32>} : memref<512x32xf32, #tpu.memory_space<vmem>>, vector<16xf32>,
      %get3A_359 = arith.index_cast %add3A_355 : i32 to index
      %get3A_360 = arith.constant 16 : index
      %get3A_361 = tpu.vector_load %arg14[%get3A_359, %get3A_360] {strides = array<i32>} : memref<512x32xf32, #tpu.memory_space<vmem>>, vector<16xf32>,
      %get3A_362 = arith.index_cast %add3A_355 : i32 to index
      %get3A_363 = arith.constant 0 : index
      %get3A_364 = tpu.vector_load %arg15[%get3A_362, %get3A_363] {strides = array<i32>} : memref<512x32xf32, #tpu.memory_space<vmem>>, vector<16xf32>,
      %get3A_365 = arith.index_cast %add3A_355 : i32 to index
      %get3A_366 = arith.constant 16 : index
      %get3A_367 = tpu.vector_load %arg15[%get3A_365, %get3A_366] {strides = array<i32>} : memref<512x32xf32, #tpu.memory_space<vmem>>, vector<16xf32>,
      %get3A_368 = arith.index_cast %add3A_355 : i32 to index
      %get3A_369 = arith.constant 0 : index
      %get3A_370 = tpu.vector_load %arg16[%get3A_368, %get3A_369] {strides = array<i32>} : memref<512x32xf32, #tpu.memory_space<vmem>>, vector<16xf32>,
      %get3A_371 = arith.index_cast %add3A_355 : i32 to index
      %get3A_372 = arith.constant 16 : index
      %get3A_373 = tpu.vector_load %arg16[%get3A_371, %get3A_372] {strides = array<i32>} : memref<512x32xf32, #tpu.memory_space<vmem>>, vector<16xf32>,
      %mul3A_374 = arith.mulf %get3A_358, %get3A_364 : vector<16xf32>
      %mul3A_375 = arith.mulf %get3A_361, %get3A_367 : vector<16xf32>
      %add3A_376 = arith.addf %mul3A_374, %mul3A_375 : vector<16xf32>
      %mul3A_377 = arith.mulf %get3A_358, %get3A_370 : vector<16xf32>
      %mul3A_378 = arith.mulf %get3A_361, %get3A_373 : vector<16xf32>
      %add3A_379 = arith.addf %mul3A_377, %mul3A_378 : vector<16xf32>
      %eq3A = arith.constant 0 : i32
      %eq3A_380 = vector.broadcast %eq3A : i32 to vector<16xi32>
      %eq3A_381 = arith.cmpi eq, %iota3A, %eq3A_380 : vector<16xi32>
      %reduce_sum3A = arith.constant true
      %reduce_sum3A_382 = vector.broadcast %reduce_sum3A : i1 to vector<16xi1>
      %reduce_sum3A_383 = tpu.scan <sum>, %add3A_376 masked %reduce_sum3A_382 : vector<16xf32>, vector<16xi1> -> vector<16xf32>
      %reduce_sum3A_384 = vector.extract %reduce_sum3A_383[15] : f32 from vector<16xf32>
      %add3A_385 = vector.broadcast %reduce_sum3A_384 : f32 to vector<16xf32>
      %add3A_386 = arith.addf %add3A_348, %add3A_385 : vector<16xf32>
      %select_n3A = arith.select %eq3A_381, %add3A_386, %add3A_348 : vector<16xi1>, vector<16xf32>
      %reduce_sum3A_387 = arith.constant true
      %reduce_sum3A_388 = vector.broadcast %reduce_sum3A_387 : i1 to vector<16xi1>
      %reduce_sum3A_389 = tpu.scan <sum>, %add3A_379 masked %reduce_sum3A_388 : vector<16xf32>, vector<16xi1> -> vector<16xf32>
      %reduce_sum3A_390 = vector.extract %reduce_sum3A_389[15] : f32 from vector<16xf32>
      %add3A_391 = vector.broadcast %reduce_sum3A_390 : f32 to vector<16xf32>
      %add3A_392 = arith.addf %add3A_351, %add3A_391 : vector<16xf32>
      %select_n3A_393 = arith.select %eq3A_381, %add3A_392, %add3A_351 : vector<16xi1>, vector<16xf32>
      %mul3A_394 = arith.constant 16 : i32
      %mul3A_395 = arith.muli %scan3A_342, %mul3A_394 : i32
      %add3A_396 = arith.constant 1 : i32
      %add3A_397 = arith.addi %mul3A_395, %add3A_396 : i32
      %get3A_398 = arith.index_cast %add3A_397 : i32 to index
      %get3A_399 = arith.constant 0 : index
      %get3A_400 = tpu.vector_load %arg14[%get3A_398, %get3A_399] {strides = array<i32>} : memref<512x32xf32, #tpu.memory_space<vmem>>, vector<16xf32>,
      %get3A_401 = arith.index_cast %add3A_397 : i32 to index
      %get3A_402 = arith.constant 16 : index
      %get3A_403 = tpu.vector_load %arg14[%get3A_401, %get3A_402] {strides = array<i32>} : memref<512x32xf32, #tpu.memory_space<vmem>>, vector<16xf32>,
      %get3A_404 = arith.index_cast %add3A_397 : i32 to index
      %get3A_405 = arith.constant 0 : index
      %get3A_406 = tpu.vector_load %arg15[%get3A_404, %get3A_405] {strides = array<i32>} : memref<512x32xf32, #tpu.memory_space<vmem>>, vector<16xf32>,
      %get3A_407 = arith.index_cast %add3A_397 : i32 to index
      %get3A_408 = arith.constant 16 : index
      %get3A_409 = tpu.vector_load %arg15[%get3A_407, %get3A_408] {strides = array<i32>} : memref<512x32xf32, #tpu.memory_space<vmem>>, vector<16xf32>,
      %get3A_410 = arith.index_cast %add3A_397 : i32 to index
      %get3A_411 = arith.constant 0 : index
      %get3A_412 = tpu.vector_load %arg16[%get3A_410, %get3A_411] {strides = array<i32>} : memref<512x32xf32, #tpu.memory_space<vmem>>, vector<16xf32>,
      %get3A_413 = arith.index_cast %add3A_397 : i32 to index
      %get3A_414 = arith.constant 16 : index
      %get3A_415 = tpu.vector_load %arg16[%get3A_413, %get3A_414] {strides = array<i32>} : memref<512x32xf32, #tpu.memory_space<vmem>>, vector<16xf32>,
      %mul3A_416 = arith.mulf %get3A_400, %get3A_406 : vector<16xf32>
      %mul3A_417 = arith.mulf %get3A_403, %get3A_409 : vector<16xf32>
      %add3A_418 = arith.addf %mul3A_416, %mul3A_417 : vector<16xf32>
      %mul3A_419 = arith.mulf %get3A_400, %get3A_412 : vector<16xf32>
      %mul3A_420 = arith.mulf %get3A_403, %get3A_415 : vector<16xf32>
      %add3A_421 = arith.addf %mul3A_419, %mul3A_420 : vector<16xf32>
      %eq3A_422 = arith.constant 1 : i32
      %eq3A_423 = vector.broadcast %eq3A_422 : i32 to vector<16xi32>
      %eq3A_424 = arith.cmpi eq, %iota3A, %eq3A_423 : vector<16xi32>
      %reduce_sum3A_425 = arith.constant true
      %reduce_sum3A_426 = vector.broadcast %reduce_sum3A_425 : i1 to vector<16xi1>
      %reduce_sum3A_427 = tpu.scan <sum>, %add3A_418 masked %reduce_sum3A_426 : vector<16xf32>, vector<16xi1> -> vector<16xf32>
      %reduce_sum3A_428 = vector.extract %reduce_sum3A_427[15] : f32 from vector<16xf32>
      %add3A_429 = vector.broadcast %reduce_sum3A_428 : f32 to vector<16xf32>
      %add3A_430 = arith.addf %select_n3A, %add3A_429 : vector<16xf32>
      %select_n3A_431 = arith.select %eq3A_424, %add3A_430, %select_n3A : vector<16xi1>, vector<16xf32>
      %reduce_sum3A_432 = arith.constant true
      %reduce_sum3A_433 = vector.broadcast %reduce_sum3A_432 : i1 to vector<16xi1>
      %reduce_sum3A_434 = tpu.scan <sum>, %add3A_421 masked %reduce_sum3A_433 : vector<16xf32>, vector<16xi1> -> vector<16xf32>
      %reduce_sum3A_435 = vector.extract %reduce_sum3A_434[15] : f32 from vector<16xf32>
      %add3A_436 = vector.broadcast %reduce_sum3A_435 : f32 to vector<16xf32>
      %add3A_437 = arith.addf %select_n3A_393, %add3A_436 : vector<16xf32>
      %select_n3A_438 = arith.select %eq3A_424, %add3A_437, %select_n3A_393 : vector<16xi1>, vector<16xf32>
      %mul3A_439 = arith.constant 16 : i32
      %mul3A_440 = arith.muli %scan3A_342, %mul3A_439 : i32
      %add3A_441 = arith.constant 2 : i32
      %add3A_442 = arith.addi %mul3A_440, %add3A_441 : i32
      %get3A_443 = arith.index_cast %add3A_442 : i32 to index
      %get3A_444 = arith.constant 0 : index
      %get3A_445 = tpu.vector_load %arg14[%get3A_443, %get3A_444] {strides = array<i32>} : memref<512x32xf32, #tpu.memory_space<vmem>>, vector<16xf32>,
      %get3A_446 = arith.index_cast %add3A_442 : i32 to index
      %get3A_447 = arith.constant 16 : index
      %get3A_448 = tpu.vector_load %arg14[%get3A_446, %get3A_447] {strides = array<i32>} : memref<512x32xf32, #tpu.memory_space<vmem>>, vector<16xf32>,
      %get3A_449 = arith.index_cast %add3A_442 : i32 to index
      %get3A_450 = arith.constant 0 : index
      %get3A_451 = tpu.vector_load %arg15[%get3A_449, %get3A_450] {strides = array<i32>} : memref<512x32xf32, #tpu.memory_space<vmem>>, vector<16xf32>,
      %get3A_452 = arith.index_cast %add3A_442 : i32 to index
      %get3A_453 = arith.constant 16 : index
      %get3A_454 = tpu.vector_load %arg15[%get3A_452, %get3A_453] {strides = array<i32>} : memref<512x32xf32, #tpu.memory_space<vmem>>, vector<16xf32>,
      %get3A_455 = arith.index_cast %add3A_442 : i32 to index
      %get3A_456 = arith.constant 0 : index
      %get3A_457 = tpu.vector_load %arg16[%get3A_455, %get3A_456] {strides = array<i32>} : memref<512x32xf32, #tpu.memory_space<vmem>>, vector<16xf32>,
      %get3A_458 = arith.index_cast %add3A_442 : i32 to index
      %get3A_459 = arith.constant 16 : index
      %get3A_460 = tpu.vector_load %arg16[%get3A_458, %get3A_459] {strides = array<i32>} : memref<512x32xf32, #tpu.memory_space<vmem>>, vector<16xf32>,
      %mul3A_461 = arith.mulf %get3A_445, %get3A_451 : vector<16xf32>
      %mul3A_462 = arith.mulf %get3A_448, %get3A_454 : vector<16xf32>
      %add3A_463 = arith.addf %mul3A_461, %mul3A_462 : vector<16xf32>
      %mul3A_464 = arith.mulf %get3A_445, %get3A_457 : vector<16xf32>
      %mul3A_465 = arith.mulf %get3A_448, %get3A_460 : vector<16xf32>
      %add3A_466 = arith.addf %mul3A_464, %mul3A_465 : vector<16xf32>
      %eq3A_467 = arith.constant 2 : i32
      %eq3A_468 = vector.broadcast %eq3A_467 : i32 to vector<16xi32>
      %eq3A_469 = arith.cmpi eq, %iota3A, %eq3A_468 : vector<16xi32>
      %reduce_sum3A_470 = arith.constant true
      %reduce_sum3A_471 = vector.broadcast %reduce_sum3A_470 : i1 to vector<16xi1>
      %reduce_sum3A_472 = tpu.scan <sum>, %add3A_463 masked %reduce_sum3A_471 : vector<16xf32>, vector<16xi1> -> vector<16xf32>
      %reduce_sum3A_473 = vector.extract %reduce_sum3A_472[15] : f32 from vector<16xf32>
      %add3A_474 = vector.broadcast %reduce_sum3A_473 : f32 to vector<16xf32>
      %add3A_475 = arith.addf %select_n3A_431, %add3A_474 : vector<16xf32>
      %select_n3A_476 = arith.select %eq3A_469, %add3A_475, %select_n3A_431 : vector<16xi1>, vector<16xf32>
      %reduce_sum3A_477 = arith.constant true
      %reduce_sum3A_478 = vector.broadcast %reduce_sum3A_477 : i1 to vector<16xi1>
      %reduce_sum3A_479 = tpu.scan <sum>, %add3A_466 masked %reduce_sum3A_478 : vector<16xf32>, vector<16xi1> -> vector<16xf32>
      %reduce_sum3A_480 = vector.extract %reduce_sum3A_479[15] : f32 from vector<16xf32>
      %add3A_481 = vector.broadcast %reduce_sum3A_480 : f32 to vector<16xf32>
      %add3A_482 = arith.addf %select_n3A_438, %add3A_481 : vector<16xf32>
      %select_n3A_483 = arith.select %eq3A_469, %add3A_482, %select_n3A_438 : vector<16xi1>, vector<16xf32>
      %mul3A_484 = arith.constant 16 : i32
      %mul3A_485 = arith.muli %scan3A_342, %mul3A_484 : i32
      %add3A_486 = arith.constant 3 : i32
      %add3A_487 = arith.addi %mul3A_485, %add3A_486 : i32
      %get3A_488 = arith.index_cast %add3A_487 : i32 to index
      %get3A_489 = arith.constant 0 : index
      %get3A_490 = tpu.vector_load %arg14[%get3A_488, %get3A_489] {strides = array<i32>} : memref<512x32xf32, #tpu.memory_space<vmem>>, vector<16xf32>,
      %get3A_491 = arith.index_cast %add3A_487 : i32 to index
      %get3A_492 = arith.constant 16 : index
      %get3A_493 = tpu.vector_load %arg14[%get3A_491, %get3A_492] {strides = array<i32>} : memref<512x32xf32, #tpu.memory_space<vmem>>, vector<16xf32>,
      %get3A_494 = arith.index_cast %add3A_487 : i32 to index
      %get3A_495 = arith.constant 0 : index
      %get3A_496 = tpu.vector_load %arg15[%get3A_494, %get3A_495] {strides = array<i32>} : memref<512x32xf32, #tpu.memory_space<vmem>>, vector<16xf32>,
      %get3A_497 = arith.index_cast %add3A_487 : i32 to index
      %get3A_498 = arith.constant 16 : index
      %get3A_499 = tpu.vector_load %arg15[%get3A_497, %get3A_498] {strides = array<i32>} : memref<512x32xf32, #tpu.memory_space<vmem>>, vector<16xf32>,
      %get3A_500 = arith.index_cast %add3A_487 : i32 to index
      %get3A_501 = arith.constant 0 : index
      %get3A_502 = tpu.vector_load %arg16[%get3A_500, %get3A_501] {strides = array<i32>} : memref<512x32xf32, #tpu.memory_space<vmem>>, vector<16xf32>,
      %get3A_503 = arith.index_cast %add3A_487 : i32 to index
      %get3A_504 = arith.constant 16 : index
      %get3A_505 = tpu.vector_load %arg16[%get3A_503, %get3A_504] {strides = array<i32>} : memref<512x32xf32, #tpu.memory_space<vmem>>, vector<16xf32>,
      %mul3A_506 = arith.mulf %get3A_490, %get3A_496 : vector<16xf32>
      %mul3A_507 = arith.mulf %get3A_493, %get3A_499 : vector<16xf32>
      %add3A_508 = arith.addf %mul3A_506, %mul3A_507 : vector<16xf32>
      %mul3A_509 = arith.mulf %get3A_490, %get3A_502 : vector<16xf32>
      %mul3A_510 = arith.mulf %get3A_493, %get3A_505 : vector<16xf32>
      %add3A_511 = arith.addf %mul3A_509, %mul3A_510 : vector<16xf32>
      %eq3A_512 = arith.constant 3 : i32
      %eq3A_513 = vector.broadcast %eq3A_512 : i32 to vector<16xi32>
      %eq3A_514 = arith.cmpi eq, %iota3A, %eq3A_513 : vector<16xi32>
      %reduce_sum3A_515 = arith.constant true
      %reduce_sum3A_516 = vector.broadcast %reduce_sum3A_515 : i1 to vector<16xi1>
      %reduce_sum3A_517 = tpu.scan <sum>, %add3A_508 masked %reduce_sum3A_516 : vector<16xf32>, vector<16xi1> -> vector<16xf32>
      %reduce_sum3A_518 = vector.extract %reduce_sum3A_517[15] : f32 from vector<16xf32>
      %add3A_519 = vector.broadcast %reduce_sum3A_518 : f32 to vector<16xf32>
      %add3A_520 = arith.addf %select_n3A_476, %add3A_519 : vector<16xf32>
      %select_n3A_521 = arith.select %eq3A_514, %add3A_520, %select_n3A_476 : vector<16xi1>, vector<16xf32>
      %reduce_sum3A_522 = arith.constant true
      %reduce_sum3A_523 = vector.broadcast %reduce_sum3A_522 : i1 to vector<16xi1>
      %reduce_sum3A_524 = tpu.scan <sum>, %add3A_511 masked %reduce_sum3A_523 : vector<16xf32>, vector<16xi1> -> vector<16xf32>
      %reduce_sum3A_525 = vector.extract %reduce_sum3A_524[15] : f32 from vector<16xf32>
      %add3A_526 = vector.broadcast %reduce_sum3A_525 : f32 to vector<16xf32>
      %add3A_527 = arith.addf %select_n3A_483, %add3A_526 : vector<16xf32>
      %select_n3A_528 = arith.select %eq3A_514, %add3A_527, %select_n3A_483 : vector<16xi1>, vector<16xf32>
      %mul3A_529 = arith.constant 16 : i32
      %mul3A_530 = arith.muli %scan3A_342, %mul3A_529 : i32
      %add3A_531 = arith.constant 4 : i32
      %add3A_532 = arith.addi %mul3A_530, %add3A_531 : i32
      %get3A_533 = arith.index_cast %add3A_532 : i32 to index
      %get3A_534 = arith.constant 0 : index
      %get3A_535 = tpu.vector_load %arg14[%get3A_533, %get3A_534] {strides = array<i32>} : memref<512x32xf32, #tpu.memory_space<vmem>>, vector<16xf32>,
      %get3A_536 = arith.index_cast %add3A_532 : i32 to index
      %get3A_537 = arith.constant 16 : index
      %get3A_538 = tpu.vector_load %arg14[%get3A_536, %get3A_537] {strides = array<i32>} : memref<512x32xf32, #tpu.memory_space<vmem>>, vector<16xf32>,
      %get3A_539 = arith.index_cast %add3A_532 : i32 to index
      %get3A_540 = arith.constant 0 : index
      %get3A_541 = tpu.vector_load %arg15[%get3A_539, %get3A_540] {strides = array<i32>} : memref<512x32xf32, #tpu.memory_space<vmem>>, vector<16xf32>,
      %get3A_542 = arith.index_cast %add3A_532 : i32 to index
      %get3A_543 = arith.constant 16 : index
      %get3A_544 = tpu.vector_load %arg15[%get3A_542, %get3A_543] {strides = array<i32>} : memref<512x32xf32, #tpu.memory_space<vmem>>, vector<16xf32>,
      %get3A_545 = arith.index_cast %add3A_532 : i32 to index
      %get3A_546 = arith.constant 0 : index
      %get3A_547 = tpu.vector_load %arg16[%get3A_545, %get3A_546] {strides = array<i32>} : memref<512x32xf32, #tpu.memory_space<vmem>>, vector<16xf32>,
      %get3A_548 = arith.index_cast %add3A_532 : i32 to index
      %get3A_549 = arith.constant 16 : index
      %get3A_550 = tpu.vector_load %arg16[%get3A_548, %get3A_549] {strides = array<i32>} : memref<512x32xf32, #tpu.memory_space<vmem>>, vector<16xf32>,
      %mul3A_551 = arith.mulf %get3A_535, %get3A_541 : vector<16xf32>
      %mul3A_552 = arith.mulf %get3A_538, %get3A_544 : vector<16xf32>
      %add3A_553 = arith.addf %mul3A_551, %mul3A_552 : vector<16xf32>
      %mul3A_554 = arith.mulf %get3A_535, %get3A_547 : vector<16xf32>
      %mul3A_555 = arith.mulf %get3A_538, %get3A_550 : vector<16xf32>
      %add3A_556 = arith.addf %mul3A_554, %mul3A_555 : vector<16xf32>
      %eq3A_557 = arith.constant 4 : i32
      %eq3A_558 = vector.broadcast %eq3A_557 : i32 to vector<16xi32>
      %eq3A_559 = arith.cmpi eq, %iota3A, %eq3A_558 : vector<16xi32>
      %reduce_sum3A_560 = arith.constant true
      %reduce_sum3A_561 = vector.broadcast %reduce_sum3A_560 : i1 to vector<16xi1>
      %reduce_sum3A_562 = tpu.scan <sum>, %add3A_553 masked %reduce_sum3A_561 : vector<16xf32>, vector<16xi1> -> vector<16xf32>
      %reduce_sum3A_563 = vector.extract %reduce_sum3A_562[15] : f32 from vector<16xf32>
      %add3A_564 = vector.broadcast %reduce_sum3A_563 : f32 to vector<16xf32>
      %add3A_565 = arith.addf %select_n3A_521, %add3A_564 : vector<16xf32>
      %select_n3A_566 = arith.select %eq3A_559, %add3A_565, %select_n3A_521 : vector<16xi1>, vector<16xf32>
      %reduce_sum3A_567 = arith.constant true
      %reduce_sum3A_568 = vector.broadcast %reduce_sum3A_567 : i1 to vector<16xi1>
      %reduce_sum3A_569 = tpu.scan <sum>, %add3A_556 masked %reduce_sum3A_568 : vector<16xf32>, vector<16xi1> -> vector<16xf32>
      %reduce_sum3A_570 = vector.extract %reduce_sum3A_569[15] : f32 from vector<16xf32>
      %add3A_571 = vector.broadcast %reduce_sum3A_570 : f32 to vector<16xf32>
      %add3A_572 = arith.addf %select_n3A_528, %add3A_571 : vector<16xf32>
      %select_n3A_573 = arith.select %eq3A_559, %add3A_572, %select_n3A_528 : vector<16xi1>, vector<16xf32>
      %mul3A_574 = arith.constant 16 : i32
      %mul3A_575 = arith.muli %scan3A_342, %mul3A_574 : i32
      %add3A_576 = arith.constant 5 : i32
      %add3A_577 = arith.addi %mul3A_575, %add3A_576 : i32
      %get3A_578 = arith.index_cast %add3A_577 : i32 to index
      %get3A_579 = arith.constant 0 : index
      %get3A_580 = tpu.vector_load %arg14[%get3A_578, %get3A_579] {strides = array<i32>} : memref<512x32xf32, #tpu.memory_space<vmem>>, vector<16xf32>,
      %get3A_581 = arith.index_cast %add3A_577 : i32 to index
      %get3A_582 = arith.constant 16 : index
      %get3A_583 = tpu.vector_load %arg14[%get3A_581, %get3A_582] {strides = array<i32>} : memref<512x32xf32, #tpu.memory_space<vmem>>, vector<16xf32>,
      %get3A_584 = arith.index_cast %add3A_577 : i32 to index
      %get3A_585 = arith.constant 0 : index
      %get3A_586 = tpu.vector_load %arg15[%get3A_584, %get3A_585] {strides = array<i32>} : memref<512x32xf32, #tpu.memory_space<vmem>>, vector<16xf32>,
      %get3A_587 = arith.index_cast %add3A_577 : i32 to index
      %get3A_588 = arith.constant 16 : index
      %get3A_589 = tpu.vector_load %arg15[%get3A_587, %get3A_588] {strides = array<i32>} : memref<512x32xf32, #tpu.memory_space<vmem>>, vector<16xf32>,
      %get3A_590 = arith.index_cast %add3A_577 : i32 to index
      %get3A_591 = arith.constant 0 : index
      %get3A_592 = tpu.vector_load %arg16[%get3A_590, %get3A_591] {strides = array<i32>} : memref<512x32xf32, #tpu.memory_space<vmem>>, vector<16xf32>,
      %get3A_593 = arith.index_cast %add3A_577 : i32 to index
      %get3A_594 = arith.constant 16 : index
      %get3A_595 = tpu.vector_load %arg16[%get3A_593, %get3A_594] {strides = array<i32>} : memref<512x32xf32, #tpu.memory_space<vmem>>, vector<16xf32>,
      %mul3A_596 = arith.mulf %get3A_580, %get3A_586 : vector<16xf32>
      %mul3A_597 = arith.mulf %get3A_583, %get3A_589 : vector<16xf32>
      %add3A_598 = arith.addf %mul3A_596, %mul3A_597 : vector<16xf32>
      %mul3A_599 = arith.mulf %get3A_580, %get3A_592 : vector<16xf32>
      %mul3A_600 = arith.mulf %get3A_583, %get3A_595 : vector<16xf32>
      %add3A_601 = arith.addf %mul3A_599, %mul3A_600 : vector<16xf32>
      %eq3A_602 = arith.constant 5 : i32
      %eq3A_603 = vector.broadcast %eq3A_602 : i32 to vector<16xi32>
      %eq3A_604 = arith.cmpi eq, %iota3A, %eq3A_603 : vector<16xi32>
      %reduce_sum3A_605 = arith.constant true
      %reduce_sum3A_606 = vector.broadcast %reduce_sum3A_605 : i1 to vector<16xi1>
      %reduce_sum3A_607 = tpu.scan <sum>, %add3A_598 masked %reduce_sum3A_606 : vector<16xf32>, vector<16xi1> -> vector<16xf32>
      %reduce_sum3A_608 = vector.extract %reduce_sum3A_607[15] : f32 from vector<16xf32>
      %add3A_609 = vector.broadcast %reduce_sum3A_608 : f32 to vector<16xf32>
      %add3A_610 = arith.addf %select_n3A_566, %add3A_609 : vector<16xf32>
      %select_n3A_611 = arith.select %eq3A_604, %add3A_610, %select_n3A_566 : vector<16xi1>, vector<16xf32>
      %reduce_sum3A_612 = arith.constant true
      %reduce_sum3A_613 = vector.broadcast %reduce_sum3A_612 : i1 to vector<16xi1>
      %reduce_sum3A_614 = tpu.scan <sum>, %add3A_601 masked %reduce_sum3A_613 : vector<16xf32>, vector<16xi1> -> vector<16xf32>
      %reduce_sum3A_615 = vector.extract %reduce_sum3A_614[15] : f32 from vector<16xf32>
      %add3A_616 = vector.broadcast %reduce_sum3A_615 : f32 to vector<16xf32>
      %add3A_617 = arith.addf %select_n3A_573, %add3A_616 : vector<16xf32>
      %select_n3A_618 = arith.select %eq3A_604, %add3A_617, %select_n3A_573 : vector<16xi1>, vector<16xf32>
      %mul3A_619 = arith.constant 16 : i32
      %mul3A_620 = arith.muli %scan3A_342, %mul3A_619 : i32
      %add3A_621 = arith.constant 6 : i32
      %add3A_622 = arith.addi %mul3A_620, %add3A_621 : i32
      %get3A_623 = arith.index_cast %add3A_622 : i32 to index
      %get3A_624 = arith.constant 0 : index
      %get3A_625 = tpu.vector_load %arg14[%get3A_623, %get3A_624] {strides = array<i32>} : memref<512x32xf32, #tpu.memory_space<vmem>>, vector<16xf32>,
      %get3A_626 = arith.index_cast %add3A_622 : i32 to index
      %get3A_627 = arith.constant 16 : index
      %get3A_628 = tpu.vector_load %arg14[%get3A_626, %get3A_627] {strides = array<i32>} : memref<512x32xf32, #tpu.memory_space<vmem>>, vector<16xf32>,
      %get3A_629 = arith.index_cast %add3A_622 : i32 to index
      %get3A_630 = arith.constant 0 : index
      %get3A_631 = tpu.vector_load %arg15[%get3A_629, %get3A_630] {strides = array<i32>} : memref<512x32xf32, #tpu.memory_space<vmem>>, vector<16xf32>,
      %get3A_632 = arith.index_cast %add3A_622 : i32 to index
      %get3A_633 = arith.constant 16 : index
      %get3A_634 = tpu.vector_load %arg15[%get3A_632, %get3A_633] {strides = array<i32>} : memref<512x32xf32, #tpu.memory_space<vmem>>, vector<16xf32>,
      %get3A_635 = arith.index_cast %add3A_622 : i32 to index
      %get3A_636 = arith.constant 0 : index
      %get3A_637 = tpu.vector_load %arg16[%get3A_635, %get3A_636] {strides = array<i32>} : memref<512x32xf32, #tpu.memory_space<vmem>>, vector<16xf32>,
      %get3A_638 = arith.index_cast %add3A_622 : i32 to index
      %get3A_639 = arith.constant 16 : index
      %get3A_640 = tpu.vector_load %arg16[%get3A_638, %get3A_639] {strides = array<i32>} : memref<512x32xf32, #tpu.memory_space<vmem>>, vector<16xf32>,
      %mul3A_641 = arith.mulf %get3A_625, %get3A_631 : vector<16xf32>
      %mul3A_642 = arith.mulf %get3A_628, %get3A_634 : vector<16xf32>
      %add3A_643 = arith.addf %mul3A_641, %mul3A_642 : vector<16xf32>
      %mul3A_644 = arith.mulf %get3A_625, %get3A_637 : vector<16xf32>
      %mul3A_645 = arith.mulf %get3A_628, %get3A_640 : vector<16xf32>
      %add3A_646 = arith.addf %mul3A_644, %mul3A_645 : vector<16xf32>
      %eq3A_647 = arith.constant 6 : i32
      %eq3A_648 = vector.broadcast %eq3A_647 : i32 to vector<16xi32>
      %eq3A_649 = arith.cmpi eq, %iota3A, %eq3A_648 : vector<16xi32>
      %reduce_sum3A_650 = arith.constant true
      %reduce_sum3A_651 = vector.broadcast %reduce_sum3A_650 : i1 to vector<16xi1>
      %reduce_sum3A_652 = tpu.scan <sum>, %add3A_643 masked %reduce_sum3A_651 : vector<16xf32>, vector<16xi1> -> vector<16xf32>
      %reduce_sum3A_653 = vector.extract %reduce_sum3A_652[15] : f32 from vector<16xf32>
      %add3A_654 = vector.broadcast %reduce_sum3A_653 : f32 to vector<16xf32>
      %add3A_655 = arith.addf %select_n3A_611, %add3A_654 : vector<16xf32>
      %select_n3A_656 = arith.select %eq3A_649, %add3A_655, %select_n3A_611 : vector<16xi1>, vector<16xf32>
      %reduce_sum3A_657 = arith.constant true
      %reduce_sum3A_658 = vector.broadcast %reduce_sum3A_657 : i1 to vector<16xi1>
      %reduce_sum3A_659 = tpu.scan <sum>, %add3A_646 masked %reduce_sum3A_658 : vector<16xf32>, vector<16xi1> -> vector<16xf32>
      %reduce_sum3A_660 = vector.extract %reduce_sum3A_659[15] : f32 from vector<16xf32>
      %add3A_661 = vector.broadcast %reduce_sum3A_660 : f32 to vector<16xf32>
      %add3A_662 = arith.addf %select_n3A_618, %add3A_661 : vector<16xf32>
      %select_n3A_663 = arith.select %eq3A_649, %add3A_662, %select_n3A_618 : vector<16xi1>, vector<16xf32>
      %mul3A_664 = arith.constant 16 : i32
      %mul3A_665 = arith.muli %scan3A_342, %mul3A_664 : i32
      %add3A_666 = arith.constant 7 : i32
      %add3A_667 = arith.addi %mul3A_665, %add3A_666 : i32
      %get3A_668 = arith.index_cast %add3A_667 : i32 to index
      %get3A_669 = arith.constant 0 : index
      %get3A_670 = tpu.vector_load %arg14[%get3A_668, %get3A_669] {strides = array<i32>} : memref<512x32xf32, #tpu.memory_space<vmem>>, vector<16xf32>,
      %get3A_671 = arith.index_cast %add3A_667 : i32 to index
      %get3A_672 = arith.constant 16 : index
      %get3A_673 = tpu.vector_load %arg14[%get3A_671, %get3A_672] {strides = array<i32>} : memref<512x32xf32, #tpu.memory_space<vmem>>, vector<16xf32>,
      %get3A_674 = arith.index_cast %add3A_667 : i32 to index
      %get3A_675 = arith.constant 0 : index
      %get3A_676 = tpu.vector_load %arg15[%get3A_674, %get3A_675] {strides = array<i32>} : memref<512x32xf32, #tpu.memory_space<vmem>>, vector<16xf32>,
      %get3A_677 = arith.index_cast %add3A_667 : i32 to index
      %get3A_678 = arith.constant 16 : index
      %get3A_679 = tpu.vector_load %arg15[%get3A_677, %get3A_678] {strides = array<i32>} : memref<512x32xf32, #tpu.memory_space<vmem>>, vector<16xf32>,
      %get3A_680 = arith.index_cast %add3A_667 : i32 to index
      %get3A_681 = arith.constant 0 : index
      %get3A_682 = tpu.vector_load %arg16[%get3A_680, %get3A_681] {strides = array<i32>} : memref<512x32xf32, #tpu.memory_space<vmem>>, vector<16xf32>,
      %get3A_683 = arith.index_cast %add3A_667 : i32 to index
      %get3A_684 = arith.constant 16 : index
      %get3A_685 = tpu.vector_load %arg16[%get3A_683, %get3A_684] {strides = array<i32>} : memref<512x32xf32, #tpu.memory_space<vmem>>, vector<16xf32>,
      %mul3A_686 = arith.mulf %get3A_670, %get3A_676 : vector<16xf32>
      %mul3A_687 = arith.mulf %get3A_673, %get3A_679 : vector<16xf32>
      %add3A_688 = arith.addf %mul3A_686, %mul3A_687 : vector<16xf32>
      %mul3A_689 = arith.mulf %get3A_670, %get3A_682 : vector<16xf32>
      %mul3A_690 = arith.mulf %get3A_673, %get3A_685 : vector<16xf32>
      %add3A_691 = arith.addf %mul3A_689, %mul3A_690 : vector<16xf32>
      %eq3A_692 = arith.constant 7 : i32
      %eq3A_693 = vector.broadcast %eq3A_692 : i32 to vector<16xi32>
      %eq3A_694 = arith.cmpi eq, %iota3A, %eq3A_693 : vector<16xi32>
      %reduce_sum3A_695 = arith.constant true
      %reduce_sum3A_696 = vector.broadcast %reduce_sum3A_695 : i1 to vector<16xi1>
      %reduce_sum3A_697 = tpu.scan <sum>, %add3A_688 masked %reduce_sum3A_696 : vector<16xf32>, vector<16xi1> -> vector<16xf32>
      %reduce_sum3A_698 = vector.extract %reduce_sum3A_697[15] : f32 from vector<16xf32>
      %add3A_699 = vector.broadcast %reduce_sum3A_698 : f32 to vector<16xf32>
      %add3A_700 = arith.addf %select_n3A_656, %add3A_699 : vector<16xf32>
      %select_n3A_701 = arith.select %eq3A_694, %add3A_700, %select_n3A_656 : vector<16xi1>, vector<16xf32>
      %reduce_sum3A_702 = arith.constant true
      %reduce_sum3A_703 = vector.broadcast %reduce_sum3A_702 : i1 to vector<16xi1>
      %reduce_sum3A_704 = tpu.scan <sum>, %add3A_691 masked %reduce_sum3A_703 : vector<16xf32>, vector<16xi1> -> vector<16xf32>
      %reduce_sum3A_705 = vector.extract %reduce_sum3A_704[15] : f32 from vector<16xf32>
      %add3A_706 = vector.broadcast %reduce_sum3A_705 : f32 to vector<16xf32>
      %add3A_707 = arith.addf %select_n3A_663, %add3A_706 : vector<16xf32>
      %select_n3A_708 = arith.select %eq3A_694, %add3A_707, %select_n3A_663 : vector<16xi1>, vector<16xf32>
      %mul3A_709 = arith.constant 16 : i32
      %mul3A_710 = arith.muli %scan3A_342, %mul3A_709 : i32
      %add3A_711 = arith.constant 8 : i32
      %add3A_712 = arith.addi %mul3A_710, %add3A_711 : i32
      %get3A_713 = arith.index_cast %add3A_712 : i32 to index
      %get3A_714 = arith.constant 0 : index
      %get3A_715 = tpu.vector_load %arg14[%get3A_713, %get3A_714] {strides = array<i32>} : memref<512x32xf32, #tpu.memory_space<vmem>>, vector<16xf32>,
      %get3A_716 = arith.index_cast %add3A_712 : i32 to index
      %get3A_717 = arith.constant 16 : index
      %get3A_718 = tpu.vector_load %arg14[%get3A_716, %get3A_717] {strides = array<i32>} : memref<512x32xf32, #tpu.memory_space<vmem>>, vector<16xf32>,
      %get3A_719 = arith.index_cast %add3A_712 : i32 to index
      %get3A_720 = arith.constant 0 : index
      %get3A_721 = tpu.vector_load %arg15[%get3A_719, %get3A_720] {strides = array<i32>} : memref<512x32xf32, #tpu.memory_space<vmem>>, vector<16xf32>,
      %get3A_722 = arith.index_cast %add3A_712 : i32 to index
      %get3A_723 = arith.constant 16 : index
      %get3A_724 = tpu.vector_load %arg15[%get3A_722, %get3A_723] {strides = array<i32>} : memref<512x32xf32, #tpu.memory_space<vmem>>, vector<16xf32>,
      %get3A_725 = arith.index_cast %add3A_712 : i32 to index
      %get3A_726 = arith.constant 0 : index
      %get3A_727 = tpu.vector_load %arg16[%get3A_725, %get3A_726] {strides = array<i32>} : memref<512x32xf32, #tpu.memory_space<vmem>>, vector<16xf32>,
      %get3A_728 = arith.index_cast %add3A_712 : i32 to index
      %get3A_729 = arith.constant 16 : index
      %get3A_730 = tpu.vector_load %arg16[%get3A_728, %get3A_729] {strides = array<i32>} : memref<512x32xf32, #tpu.memory_space<vmem>>, vector<16xf32>,
      %mul3A_731 = arith.mulf %get3A_715, %get3A_721 : vector<16xf32>
      %mul3A_732 = arith.mulf %get3A_718, %get3A_724 : vector<16xf32>
      %add3A_733 = arith.addf %mul3A_731, %mul3A_732 : vector<16xf32>
      %mul3A_734 = arith.mulf %get3A_715, %get3A_727 : vector<16xf32>
      %mul3A_735 = arith.mulf %get3A_718, %get3A_730 : vector<16xf32>
      %add3A_736 = arith.addf %mul3A_734, %mul3A_735 : vector<16xf32>
      %eq3A_737 = arith.constant 8 : i32
      %eq3A_738 = vector.broadcast %eq3A_737 : i32 to vector<16xi32>
      %eq3A_739 = arith.cmpi eq, %iota3A, %eq3A_738 : vector<16xi32>
      %reduce_sum3A_740 = arith.constant true
      %reduce_sum3A_741 = vector.broadcast %reduce_sum3A_740 : i1 to vector<16xi1>
      %reduce_sum3A_742 = tpu.scan <sum>, %add3A_733 masked %reduce_sum3A_741 : vector<16xf32>, vector<16xi1> -> vector<16xf32>
      %reduce_sum3A_743 = vector.extract %reduce_sum3A_742[15] : f32 from vector<16xf32>
      %add3A_744 = vector.broadcast %reduce_sum3A_743 : f32 to vector<16xf32>
      %add3A_745 = arith.addf %select_n3A_701, %add3A_744 : vector<16xf32>
      %select_n3A_746 = arith.select %eq3A_739, %add3A_745, %select_n3A_701 : vector<16xi1>, vector<16xf32>
      %reduce_sum3A_747 = arith.constant true
      %reduce_sum3A_748 = vector.broadcast %reduce_sum3A_747 : i1 to vector<16xi1>
      %reduce_sum3A_749 = tpu.scan <sum>, %add3A_736 masked %reduce_sum3A_748 : vector<16xf32>, vector<16xi1> -> vector<16xf32>
      %reduce_sum3A_750 = vector.extract %reduce_sum3A_749[15] : f32 from vector<16xf32>
      %add3A_751 = vector.broadcast %reduce_sum3A_750 : f32 to vector<16xf32>
      %add3A_752 = arith.addf %select_n3A_708, %add3A_751 : vector<16xf32>
      %select_n3A_753 = arith.select %eq3A_739, %add3A_752, %select_n3A_708 : vector<16xi1>, vector<16xf32>
      %mul3A_754 = arith.constant 16 : i32
      %mul3A_755 = arith.muli %scan3A_342, %mul3A_754 : i32
      %add3A_756 = arith.constant 9 : i32
      %add3A_757 = arith.addi %mul3A_755, %add3A_756 : i32
      %get3A_758 = arith.index_cast %add3A_757 : i32 to index
      %get3A_759 = arith.constant 0 : index
      %get3A_760 = tpu.vector_load %arg14[%get3A_758, %get3A_759] {strides = array<i32>} : memref<512x32xf32, #tpu.memory_space<vmem>>, vector<16xf32>,
      %get3A_761 = arith.index_cast %add3A_757 : i32 to index
      %get3A_762 = arith.constant 16 : index
      %get3A_763 = tpu.vector_load %arg14[%get3A_761, %get3A_762] {strides = array<i32>} : memref<512x32xf32, #tpu.memory_space<vmem>>, vector<16xf32>,
      %get3A_764 = arith.index_cast %add3A_757 : i32 to index
      %get3A_765 = arith.constant 0 : index
      %get3A_766 = tpu.vector_load %arg15[%get3A_764, %get3A_765] {strides = array<i32>} : memref<512x32xf32, #tpu.memory_space<vmem>>, vector<16xf32>,
      %get3A_767 = arith.index_cast %add3A_757 : i32 to index
      %get3A_768 = arith.constant 16 : index
      %get3A_769 = tpu.vector_load %arg15[%get3A_767, %get3A_768] {strides = array<i32>} : memref<512x32xf32, #tpu.memory_space<vmem>>, vector<16xf32>,
      %get3A_770 = arith.index_cast %add3A_757 : i32 to index
      %get3A_771 = arith.constant 0 : index
      %get3A_772 = tpu.vector_load %arg16[%get3A_770, %get3A_771] {strides = array<i32>} : memref<512x32xf32, #tpu.memory_space<vmem>>, vector<16xf32>,
      %get3A_773 = arith.index_cast %add3A_757 : i32 to index
      %get3A_774 = arith.constant 16 : index
      %get3A_775 = tpu.vector_load %arg16[%get3A_773, %get3A_774] {strides = array<i32>} : memref<512x32xf32, #tpu.memory_space<vmem>>, vector<16xf32>,
      %mul3A_776 = arith.mulf %get3A_760, %get3A_766 : vector<16xf32>
      %mul3A_777 = arith.mulf %get3A_763, %get3A_769 : vector<16xf32>
      %add3A_778 = arith.addf %mul3A_776, %mul3A_777 : vector<16xf32>
      %mul3A_779 = arith.mulf %get3A_760, %get3A_772 : vector<16xf32>
      %mul3A_780 = arith.mulf %get3A_763, %get3A_775 : vector<16xf32>
      %add3A_781 = arith.addf %mul3A_779, %mul3A_780 : vector<16xf32>
      %eq3A_782 = arith.constant 9 : i32
      %eq3A_783 = vector.broadcast %eq3A_782 : i32 to vector<16xi32>
      %eq3A_784 = arith.cmpi eq, %iota3A, %eq3A_783 : vector<16xi32>
      %reduce_sum3A_785 = arith.constant true
      %reduce_sum3A_786 = vector.broadcast %reduce_sum3A_785 : i1 to vector<16xi1>
      %reduce_sum3A_787 = tpu.scan <sum>, %add3A_778 masked %reduce_sum3A_786 : vector<16xf32>, vector<16xi1> -> vector<16xf32>
      %reduce_sum3A_788 = vector.extract %reduce_sum3A_787[15] : f32 from vector<16xf32>
      %add3A_789 = vector.broadcast %reduce_sum3A_788 : f32 to vector<16xf32>
      %add3A_790 = arith.addf %select_n3A_746, %add3A_789 : vector<16xf32>
      %select_n3A_791 = arith.select %eq3A_784, %add3A_790, %select_n3A_746 : vector<16xi1>, vector<16xf32>
      %reduce_sum3A_792 = arith.constant true
      %reduce_sum3A_793 = vector.broadcast %reduce_sum3A_792 : i1 to vector<16xi1>
      %reduce_sum3A_794 = tpu.scan <sum>, %add3A_781 masked %reduce_sum3A_793 : vector<16xf32>, vector<16xi1> -> vector<16xf32>
      %reduce_sum3A_795 = vector.extract %reduce_sum3A_794[15] : f32 from vector<16xf32>
      %add3A_796 = vector.broadcast %reduce_sum3A_795 : f32 to vector<16xf32>
      %add3A_797 = arith.addf %select_n3A_753, %add3A_796 : vector<16xf32>
      %select_n3A_798 = arith.select %eq3A_784, %add3A_797, %select_n3A_753 : vector<16xi1>, vector<16xf32>
      %mul3A_799 = arith.constant 16 : i32
      %mul3A_800 = arith.muli %scan3A_342, %mul3A_799 : i32
      %add3A_801 = arith.constant 10 : i32
      %add3A_802 = arith.addi %mul3A_800, %add3A_801 : i32
      %get3A_803 = arith.index_cast %add3A_802 : i32 to index
      %get3A_804 = arith.constant 0 : index
      %get3A_805 = tpu.vector_load %arg14[%get3A_803, %get3A_804] {strides = array<i32>} : memref<512x32xf32, #tpu.memory_space<vmem>>, vector<16xf32>,
      %get3A_806 = arith.index_cast %add3A_802 : i32 to index
      %get3A_807 = arith.constant 16 : index
      %get3A_808 = tpu.vector_load %arg14[%get3A_806, %get3A_807] {strides = array<i32>} : memref<512x32xf32, #tpu.memory_space<vmem>>, vector<16xf32>,
      %get3A_809 = arith.index_cast %add3A_802 : i32 to index
      %get3A_810 = arith.constant 0 : index
      %get3A_811 = tpu.vector_load %arg15[%get3A_809, %get3A_810] {strides = array<i32>} : memref<512x32xf32, #tpu.memory_space<vmem>>, vector<16xf32>,
      %get3A_812 = arith.index_cast %add3A_802 : i32 to index
      %get3A_813 = arith.constant 16 : index
      %get3A_814 = tpu.vector_load %arg15[%get3A_812, %get3A_813] {strides = array<i32>} : memref<512x32xf32, #tpu.memory_space<vmem>>, vector<16xf32>,
      %get3A_815 = arith.index_cast %add3A_802 : i32 to index
      %get3A_816 = arith.constant 0 : index
      %get3A_817 = tpu.vector_load %arg16[%get3A_815, %get3A_816] {strides = array<i32>} : memref<512x32xf32, #tpu.memory_space<vmem>>, vector<16xf32>,
      %get3A_818 = arith.index_cast %add3A_802 : i32 to index
      %get3A_819 = arith.constant 16 : index
      %get3A_820 = tpu.vector_load %arg16[%get3A_818, %get3A_819] {strides = array<i32>} : memref<512x32xf32, #tpu.memory_space<vmem>>, vector<16xf32>,
      %mul3A_821 = arith.mulf %get3A_805, %get3A_811 : vector<16xf32>
      %mul3A_822 = arith.mulf %get3A_808, %get3A_814 : vector<16xf32>
      %add3A_823 = arith.addf %mul3A_821, %mul3A_822 : vector<16xf32>
      %mul3A_824 = arith.mulf %get3A_805, %get3A_817 : vector<16xf32>
      %mul3A_825 = arith.mulf %get3A_808, %get3A_820 : vector<16xf32>
      %add3A_826 = arith.addf %mul3A_824, %mul3A_825 : vector<16xf32>
      %eq3A_827 = arith.constant 10 : i32
      %eq3A_828 = vector.broadcast %eq3A_827 : i32 to vector<16xi32>
      %eq3A_829 = arith.cmpi eq, %iota3A, %eq3A_828 : vector<16xi32>
      %reduce_sum3A_830 = arith.constant true
      %reduce_sum3A_831 = vector.broadcast %reduce_sum3A_830 : i1 to vector<16xi1>
      %reduce_sum3A_832 = tpu.scan <sum>, %add3A_823 masked %reduce_sum3A_831 : vector<16xf32>, vector<16xi1> -> vector<16xf32>
      %reduce_sum3A_833 = vector.extract %reduce_sum3A_832[15] : f32 from vector<16xf32>
      %add3A_834 = vector.broadcast %reduce_sum3A_833 : f32 to vector<16xf32>
      %add3A_835 = arith.addf %select_n3A_791, %add3A_834 : vector<16xf32>
      %select_n3A_836 = arith.select %eq3A_829, %add3A_835, %select_n3A_791 : vector<16xi1>, vector<16xf32>
      %reduce_sum3A_837 = arith.constant true
      %reduce_sum3A_838 = vector.broadcast %reduce_sum3A_837 : i1 to vector<16xi1>
      %reduce_sum3A_839 = tpu.scan <sum>, %add3A_826 masked %reduce_sum3A_838 : vector<16xf32>, vector<16xi1> -> vector<16xf32>
      %reduce_sum3A_840 = vector.extract %reduce_sum3A_839[15] : f32 from vector<16xf32>
      %add3A_841 = vector.broadcast %reduce_sum3A_840 : f32 to vector<16xf32>
      %add3A_842 = arith.addf %select_n3A_798, %add3A_841 : vector<16xf32>
      %select_n3A_843 = arith.select %eq3A_829, %add3A_842, %select_n3A_798 : vector<16xi1>, vector<16xf32>
      %mul3A_844 = arith.constant 16 : i32
      %mul3A_845 = arith.muli %scan3A_342, %mul3A_844 : i32
      %add3A_846 = arith.constant 11 : i32
      %add3A_847 = arith.addi %mul3A_845, %add3A_846 : i32
      %get3A_848 = arith.index_cast %add3A_847 : i32 to index
      %get3A_849 = arith.constant 0 : index
      %get3A_850 = tpu.vector_load %arg14[%get3A_848, %get3A_849] {strides = array<i32>} : memref<512x32xf32, #tpu.memory_space<vmem>>, vector<16xf32>,
      %get3A_851 = arith.index_cast %add3A_847 : i32 to index
      %get3A_852 = arith.constant 16 : index
      %get3A_853 = tpu.vector_load %arg14[%get3A_851, %get3A_852] {strides = array<i32>} : memref<512x32xf32, #tpu.memory_space<vmem>>, vector<16xf32>,
      %get3A_854 = arith.index_cast %add3A_847 : i32 to index
      %get3A_855 = arith.constant 0 : index
      %get3A_856 = tpu.vector_load %arg15[%get3A_854, %get3A_855] {strides = array<i32>} : memref<512x32xf32, #tpu.memory_space<vmem>>, vector<16xf32>,
      %get3A_857 = arith.index_cast %add3A_847 : i32 to index
      %get3A_858 = arith.constant 16 : index
      %get3A_859 = tpu.vector_load %arg15[%get3A_857, %get3A_858] {strides = array<i32>} : memref<512x32xf32, #tpu.memory_space<vmem>>, vector<16xf32>,
      %get3A_860 = arith.index_cast %add3A_847 : i32 to index
      %get3A_861 = arith.constant 0 : index
      %get3A_862 = tpu.vector_load %arg16[%get3A_860, %get3A_861] {strides = array<i32>} : memref<512x32xf32, #tpu.memory_space<vmem>>, vector<16xf32>,
      %get3A_863 = arith.index_cast %add3A_847 : i32 to index
      %get3A_864 = arith.constant 16 : index
      %get3A_865 = tpu.vector_load %arg16[%get3A_863, %get3A_864] {strides = array<i32>} : memref<512x32xf32, #tpu.memory_space<vmem>>, vector<16xf32>,
      %mul3A_866 = arith.mulf %get3A_850, %get3A_856 : vector<16xf32>
      %mul3A_867 = arith.mulf %get3A_853, %get3A_859 : vector<16xf32>
      %add3A_868 = arith.addf %mul3A_866, %mul3A_867 : vector<16xf32>
      %mul3A_869 = arith.mulf %get3A_850, %get3A_862 : vector<16xf32>
      %mul3A_870 = arith.mulf %get3A_853, %get3A_865 : vector<16xf32>
      %add3A_871 = arith.addf %mul3A_869, %mul3A_870 : vector<16xf32>
      %eq3A_872 = arith.constant 11 : i32
      %eq3A_873 = vector.broadcast %eq3A_872 : i32 to vector<16xi32>
      %eq3A_874 = arith.cmpi eq, %iota3A, %eq3A_873 : vector<16xi32>
      %reduce_sum3A_875 = arith.constant true
      %reduce_sum3A_876 = vector.broadcast %reduce_sum3A_875 : i1 to vector<16xi1>
      %reduce_sum3A_877 = tpu.scan <sum>, %add3A_868 masked %reduce_sum3A_876 : vector<16xf32>, vector<16xi1> -> vector<16xf32>
      %reduce_sum3A_878 = vector.extract %reduce_sum3A_877[15] : f32 from vector<16xf32>
      %add3A_879 = vector.broadcast %reduce_sum3A_878 : f32 to vector<16xf32>
      %add3A_880 = arith.addf %select_n3A_836, %add3A_879 : vector<16xf32>
      %select_n3A_881 = arith.select %eq3A_874, %add3A_880, %select_n3A_836 : vector<16xi1>, vector<16xf32>
      %reduce_sum3A_882 = arith.constant true
      %reduce_sum3A_883 = vector.broadcast %reduce_sum3A_882 : i1 to vector<16xi1>
      %reduce_sum3A_884 = tpu.scan <sum>, %add3A_871 masked %reduce_sum3A_883 : vector<16xf32>, vector<16xi1> -> vector<16xf32>
      %reduce_sum3A_885 = vector.extract %reduce_sum3A_884[15] : f32 from vector<16xf32>
      %add3A_886 = vector.broadcast %reduce_sum3A_885 : f32 to vector<16xf32>
      %add3A_887 = arith.addf %select_n3A_843, %add3A_886 : vector<16xf32>
      %select_n3A_888 = arith.select %eq3A_874, %add3A_887, %select_n3A_843 : vector<16xi1>, vector<16xf32>
      %mul3A_889 = arith.constant 16 : i32
      %mul3A_890 = arith.muli %scan3A_342, %mul3A_889 : i32
      %add3A_891 = arith.constant 12 : i32
      %add3A_892 = arith.addi %mul3A_890, %add3A_891 : i32
      %get3A_893 = arith.index_cast %add3A_892 : i32 to index
      %get3A_894 = arith.constant 0 : index
      %get3A_895 = tpu.vector_load %arg14[%get3A_893, %get3A_894] {strides = array<i32>} : memref<512x32xf32, #tpu.memory_space<vmem>>, vector<16xf32>,
      %get3A_896 = arith.index_cast %add3A_892 : i32 to index
      %get3A_897 = arith.constant 16 : index
      %get3A_898 = tpu.vector_load %arg14[%get3A_896, %get3A_897] {strides = array<i32>} : memref<512x32xf32, #tpu.memory_space<vmem>>, vector<16xf32>,
      %get3A_899 = arith.index_cast %add3A_892 : i32 to index
      %get3A_900 = arith.constant 0 : index
      %get3A_901 = tpu.vector_load %arg15[%get3A_899, %get3A_900] {strides = array<i32>} : memref<512x32xf32, #tpu.memory_space<vmem>>, vector<16xf32>,
      %get3A_902 = arith.index_cast %add3A_892 : i32 to index
      %get3A_903 = arith.constant 16 : index
      %get3A_904 = tpu.vector_load %arg15[%get3A_902, %get3A_903] {strides = array<i32>} : memref<512x32xf32, #tpu.memory_space<vmem>>, vector<16xf32>,
      %get3A_905 = arith.index_cast %add3A_892 : i32 to index
      %get3A_906 = arith.constant 0 : index
      %get3A_907 = tpu.vector_load %arg16[%get3A_905, %get3A_906] {strides = array<i32>} : memref<512x32xf32, #tpu.memory_space<vmem>>, vector<16xf32>,
      %get3A_908 = arith.index_cast %add3A_892 : i32 to index
      %get3A_909 = arith.constant 16 : index
      %get3A_910 = tpu.vector_load %arg16[%get3A_908, %get3A_909] {strides = array<i32>} : memref<512x32xf32, #tpu.memory_space<vmem>>, vector<16xf32>,
      %mul3A_911 = arith.mulf %get3A_895, %get3A_901 : vector<16xf32>
      %mul3A_912 = arith.mulf %get3A_898, %get3A_904 : vector<16xf32>
      %add3A_913 = arith.addf %mul3A_911, %mul3A_912 : vector<16xf32>
      %mul3A_914 = arith.mulf %get3A_895, %get3A_907 : vector<16xf32>
      %mul3A_915 = arith.mulf %get3A_898, %get3A_910 : vector<16xf32>
      %add3A_916 = arith.addf %mul3A_914, %mul3A_915 : vector<16xf32>
      %eq3A_917 = arith.constant 12 : i32
      %eq3A_918 = vector.broadcast %eq3A_917 : i32 to vector<16xi32>
      %eq3A_919 = arith.cmpi eq, %iota3A, %eq3A_918 : vector<16xi32>
      %reduce_sum3A_920 = arith.constant true
      %reduce_sum3A_921 = vector.broadcast %reduce_sum3A_920 : i1 to vector<16xi1>
      %reduce_sum3A_922 = tpu.scan <sum>, %add3A_913 masked %reduce_sum3A_921 : vector<16xf32>, vector<16xi1> -> vector<16xf32>
      %reduce_sum3A_923 = vector.extract %reduce_sum3A_922[15] : f32 from vector<16xf32>
      %add3A_924 = vector.broadcast %reduce_sum3A_923 : f32 to vector<16xf32>
      %add3A_925 = arith.addf %select_n3A_881, %add3A_924 : vector<16xf32>
      %select_n3A_926 = arith.select %eq3A_919, %add3A_925, %select_n3A_881 : vector<16xi1>, vector<16xf32>
      %reduce_sum3A_927 = arith.constant true
      %reduce_sum3A_928 = vector.broadcast %reduce_sum3A_927 : i1 to vector<16xi1>
      %reduce_sum3A_929 = tpu.scan <sum>, %add3A_916 masked %reduce_sum3A_928 : vector<16xf32>, vector<16xi1> -> vector<16xf32>
      %reduce_sum3A_930 = vector.extract %reduce_sum3A_929[15] : f32 from vector<16xf32>
      %add3A_931 = vector.broadcast %reduce_sum3A_930 : f32 to vector<16xf32>
      %add3A_932 = arith.addf %select_n3A_888, %add3A_931 : vector<16xf32>
      %select_n3A_933 = arith.select %eq3A_919, %add3A_932, %select_n3A_888 : vector<16xi1>, vector<16xf32>
      %mul3A_934 = arith.constant 16 : i32
      %mul3A_935 = arith.muli %scan3A_342, %mul3A_934 : i32
      %add3A_936 = arith.constant 13 : i32
      %add3A_937 = arith.addi %mul3A_935, %add3A_936 : i32
      %get3A_938 = arith.index_cast %add3A_937 : i32 to index
      %get3A_939 = arith.constant 0 : index
      %get3A_940 = tpu.vector_load %arg14[%get3A_938, %get3A_939] {strides = array<i32>} : memref<512x32xf32, #tpu.memory_space<vmem>>, vector<16xf32>,
      %get3A_941 = arith.index_cast %add3A_937 : i32 to index
      %get3A_942 = arith.constant 16 : index
      %get3A_943 = tpu.vector_load %arg14[%get3A_941, %get3A_942] {strides = array<i32>} : memref<512x32xf32, #tpu.memory_space<vmem>>, vector<16xf32>,
      %get3A_944 = arith.index_cast %add3A_937 : i32 to index
      %get3A_945 = arith.constant 0 : index
      %get3A_946 = tpu.vector_load %arg15[%get3A_944, %get3A_945] {strides = array<i32>} : memref<512x32xf32, #tpu.memory_space<vmem>>, vector<16xf32>,
      %get3A_947 = arith.index_cast %add3A_937 : i32 to index
      %get3A_948 = arith.constant 16 : index
      %get3A_949 = tpu.vector_load %arg15[%get3A_947, %get3A_948] {strides = array<i32>} : memref<512x32xf32, #tpu.memory_space<vmem>>, vector<16xf32>,
      %get3A_950 = arith.index_cast %add3A_937 : i32 to index
      %get3A_951 = arith.constant 0 : index
      %get3A_952 = tpu.vector_load %arg16[%get3A_950, %get3A_951] {strides = array<i32>} : memref<512x32xf32, #tpu.memory_space<vmem>>, vector<16xf32>,
      %get3A_953 = arith.index_cast %add3A_937 : i32 to index
      %get3A_954 = arith.constant 16 : index
      %get3A_955 = tpu.vector_load %arg16[%get3A_953, %get3A_954] {strides = array<i32>} : memref<512x32xf32, #tpu.memory_space<vmem>>, vector<16xf32>,
      %mul3A_956 = arith.mulf %get3A_940, %get3A_946 : vector<16xf32>
      %mul3A_957 = arith.mulf %get3A_943, %get3A_949 : vector<16xf32>
      %add3A_958 = arith.addf %mul3A_956, %mul3A_957 : vector<16xf32>
      %mul3A_959 = arith.mulf %get3A_940, %get3A_952 : vector<16xf32>
      %mul3A_960 = arith.mulf %get3A_943, %get3A_955 : vector<16xf32>
      %add3A_961 = arith.addf %mul3A_959, %mul3A_960 : vector<16xf32>
      %eq3A_962 = arith.constant 13 : i32
      %eq3A_963 = vector.broadcast %eq3A_962 : i32 to vector<16xi32>
      %eq3A_964 = arith.cmpi eq, %iota3A, %eq3A_963 : vector<16xi32>
      %reduce_sum3A_965 = arith.constant true
      %reduce_sum3A_966 = vector.broadcast %reduce_sum3A_965 : i1 to vector<16xi1>
      %reduce_sum3A_967 = tpu.scan <sum>, %add3A_958 masked %reduce_sum3A_966 : vector<16xf32>, vector<16xi1> -> vector<16xf32>
      %reduce_sum3A_968 = vector.extract %reduce_sum3A_967[15] : f32 from vector<16xf32>
      %add3A_969 = vector.broadcast %reduce_sum3A_968 : f32 to vector<16xf32>
      %add3A_970 = arith.addf %select_n3A_926, %add3A_969 : vector<16xf32>
      %select_n3A_971 = arith.select %eq3A_964, %add3A_970, %select_n3A_926 : vector<16xi1>, vector<16xf32>
      %reduce_sum3A_972 = arith.constant true
      %reduce_sum3A_973 = vector.broadcast %reduce_sum3A_972 : i1 to vector<16xi1>
      %reduce_sum3A_974 = tpu.scan <sum>, %add3A_961 masked %reduce_sum3A_973 : vector<16xf32>, vector<16xi1> -> vector<16xf32>
      %reduce_sum3A_975 = vector.extract %reduce_sum3A_974[15] : f32 from vector<16xf32>
      %add3A_976 = vector.broadcast %reduce_sum3A_975 : f32 to vector<16xf32>
      %add3A_977 = arith.addf %select_n3A_933, %add3A_976 : vector<16xf32>
      %select_n3A_978 = arith.select %eq3A_964, %add3A_977, %select_n3A_933 : vector<16xi1>, vector<16xf32>
      %mul3A_979 = arith.constant 16 : i32
      %mul3A_980 = arith.muli %scan3A_342, %mul3A_979 : i32
      %add3A_981 = arith.constant 14 : i32
      %add3A_982 = arith.addi %mul3A_980, %add3A_981 : i32
      %get3A_983 = arith.index_cast %add3A_982 : i32 to index
      %get3A_984 = arith.constant 0 : index
      %get3A_985 = tpu.vector_load %arg14[%get3A_983, %get3A_984] {strides = array<i32>} : memref<512x32xf32, #tpu.memory_space<vmem>>, vector<16xf32>,
      %get3A_986 = arith.index_cast %add3A_982 : i32 to index
      %get3A_987 = arith.constant 16 : index
      %get3A_988 = tpu.vector_load %arg14[%get3A_986, %get3A_987] {strides = array<i32>} : memref<512x32xf32, #tpu.memory_space<vmem>>, vector<16xf32>,
      %get3A_989 = arith.index_cast %add3A_982 : i32 to index
      %get3A_990 = arith.constant 0 : index
      %get3A_991 = tpu.vector_load %arg15[%get3A_989, %get3A_990] {strides = array<i32>} : memref<512x32xf32, #tpu.memory_space<vmem>>, vector<16xf32>,
      %get3A_992 = arith.index_cast %add3A_982 : i32 to index
      %get3A_993 = arith.constant 16 : index
      %get3A_994 = tpu.vector_load %arg15[%get3A_992, %get3A_993] {strides = array<i32>} : memref<512x32xf32, #tpu.memory_space<vmem>>, vector<16xf32>,
      %get3A_995 = arith.index_cast %add3A_982 : i32 to index
      %get3A_996 = arith.constant 0 : index
      %get3A_997 = tpu.vector_load %arg16[%get3A_995, %get3A_996] {strides = array<i32>} : memref<512x32xf32, #tpu.memory_space<vmem>>, vector<16xf32>,
      %get3A_998 = arith.index_cast %add3A_982 : i32 to index
      %get3A_999 = arith.constant 16 : index
      %get3A_1000 = tpu.vector_load %arg16[%get3A_998, %get3A_999] {strides = array<i32>} : memref<512x32xf32, #tpu.memory_space<vmem>>, vector<16xf32>,
      %mul3A_1001 = arith.mulf %get3A_985, %get3A_991 : vector<16xf32>
      %mul3A_1002 = arith.mulf %get3A_988, %get3A_994 : vector<16xf32>
      %add3A_1003 = arith.addf %mul3A_1001, %mul3A_1002 : vector<16xf32>
      %mul3A_1004 = arith.mulf %get3A_985, %get3A_997 : vector<16xf32>
      %mul3A_1005 = arith.mulf %get3A_988, %get3A_1000 : vector<16xf32>
      %add3A_1006 = arith.addf %mul3A_1004, %mul3A_1005 : vector<16xf32>
      %eq3A_1007 = arith.constant 14 : i32
      %eq3A_1008 = vector.broadcast %eq3A_1007 : i32 to vector<16xi32>
      %eq3A_1009 = arith.cmpi eq, %iota3A, %eq3A_1008 : vector<16xi32>
      %reduce_sum3A_1010 = arith.constant true
      %reduce_sum3A_1011 = vector.broadcast %reduce_sum3A_1010 : i1 to vector<16xi1>
      %reduce_sum3A_1012 = tpu.scan <sum>, %add3A_1003 masked %reduce_sum3A_1011 : vector<16xf32>, vector<16xi1> -> vector<16xf32>
      %reduce_sum3A_1013 = vector.extract %reduce_sum3A_1012[15] : f32 from vector<16xf32>
      %add3A_1014 = vector.broadcast %reduce_sum3A_1013 : f32 to vector<16xf32>
      %add3A_1015 = arith.addf %select_n3A_971, %add3A_1014 : vector<16xf32>
      %select_n3A_1016 = arith.select %eq3A_1009, %add3A_1015, %select_n3A_971 : vector<16xi1>, vector<16xf32>
      %reduce_sum3A_1017 = arith.constant true
      %reduce_sum3A_1018 = vector.broadcast %reduce_sum3A_1017 : i1 to vector<16xi1>
      %reduce_sum3A_1019 = tpu.scan <sum>, %add3A_1006 masked %reduce_sum3A_1018 : vector<16xf32>, vector<16xi1> -> vector<16xf32>
      %reduce_sum3A_1020 = vector.extract %reduce_sum3A_1019[15] : f32 from vector<16xf32>
      %add3A_1021 = vector.broadcast %reduce_sum3A_1020 : f32 to vector<16xf32>
      %add3A_1022 = arith.addf %select_n3A_978, %add3A_1021 : vector<16xf32>
      %select_n3A_1023 = arith.select %eq3A_1009, %add3A_1022, %select_n3A_978 : vector<16xi1>, vector<16xf32>
      %mul3A_1024 = arith.constant 16 : i32
      %mul3A_1025 = arith.muli %scan3A_342, %mul3A_1024 : i32
      %add3A_1026 = arith.constant 15 : i32
      %add3A_1027 = arith.addi %mul3A_1025, %add3A_1026 : i32
      %get3A_1028 = arith.index_cast %add3A_1027 : i32 to index
      %get3A_1029 = arith.constant 0 : index
      %get3A_1030 = tpu.vector_load %arg14[%get3A_1028, %get3A_1029] {strides = array<i32>} : memref<512x32xf32, #tpu.memory_space<vmem>>, vector<16xf32>,
      %get3A_1031 = arith.index_cast %add3A_1027 : i32 to index
      %get3A_1032 = arith.constant 16 : index
      %get3A_1033 = tpu.vector_load %arg14[%get3A_1031, %get3A_1032] {strides = array<i32>} : memref<512x32xf32, #tpu.memory_space<vmem>>, vector<16xf32>,
      %get3A_1034 = arith.index_cast %add3A_1027 : i32 to index
      %get3A_1035 = arith.constant 0 : index
      %get3A_1036 = tpu.vector_load %arg15[%get3A_1034, %get3A_1035] {strides = array<i32>} : memref<512x32xf32, #tpu.memory_space<vmem>>, vector<16xf32>,
      %get3A_1037 = arith.index_cast %add3A_1027 : i32 to index
      %get3A_1038 = arith.constant 16 : index
      %get3A_1039 = tpu.vector_load %arg15[%get3A_1037, %get3A_1038] {strides = array<i32>} : memref<512x32xf32, #tpu.memory_space<vmem>>, vector<16xf32>,
      %get3A_1040 = arith.index_cast %add3A_1027 : i32 to index
      %get3A_1041 = arith.constant 0 : index
      %get3A_1042 = tpu.vector_load %arg16[%get3A_1040, %get3A_1041] {strides = array<i32>} : memref<512x32xf32, #tpu.memory_space<vmem>>, vector<16xf32>,
      %get3A_1043 = arith.index_cast %add3A_1027 : i32 to index
      %get3A_1044 = arith.constant 16 : index
      %get3A_1045 = tpu.vector_load %arg16[%get3A_1043, %get3A_1044] {strides = array<i32>} : memref<512x32xf32, #tpu.memory_space<vmem>>, vector<16xf32>,
      %mul3A_1046 = arith.mulf %get3A_1030, %get3A_1036 : vector<16xf32>
      %mul3A_1047 = arith.mulf %get3A_1033, %get3A_1039 : vector<16xf32>
      %add3A_1048 = arith.addf %mul3A_1046, %mul3A_1047 : vector<16xf32>
      %mul3A_1049 = arith.mulf %get3A_1030, %get3A_1042 : vector<16xf32>
      %mul3A_1050 = arith.mulf %get3A_1033, %get3A_1045 : vector<16xf32>
      %add3A_1051 = arith.addf %mul3A_1049, %mul3A_1050 : vector<16xf32>
      %eq3A_1052 = arith.constant 15 : i32
      %eq3A_1053 = vector.broadcast %eq3A_1052 : i32 to vector<16xi32>
      %eq3A_1054 = arith.cmpi eq, %iota3A, %eq3A_1053 : vector<16xi32>
      %reduce_sum3A_1055 = arith.constant true
      %reduce_sum3A_1056 = vector.broadcast %reduce_sum3A_1055 : i1 to vector<16xi1>
      %reduce_sum3A_1057 = tpu.scan <sum>, %add3A_1048 masked %reduce_sum3A_1056 : vector<16xf32>, vector<16xi1> -> vector<16xf32>
      %reduce_sum3A_1058 = vector.extract %reduce_sum3A_1057[15] : f32 from vector<16xf32>
      %add3A_1059 = vector.broadcast %reduce_sum3A_1058 : f32 to vector<16xf32>
      %add3A_1060 = arith.addf %select_n3A_1016, %add3A_1059 : vector<16xf32>
      %select_n3A_1061 = arith.select %eq3A_1054, %add3A_1060, %select_n3A_1016 : vector<16xi1>, vector<16xf32>
      %reduce_sum3A_1062 = arith.constant true
      %reduce_sum3A_1063 = vector.broadcast %reduce_sum3A_1062 : i1 to vector<16xi1>
      %reduce_sum3A_1064 = tpu.scan <sum>, %add3A_1051 masked %reduce_sum3A_1063 : vector<16xf32>, vector<16xi1> -> vector<16xf32>
      %reduce_sum3A_1065 = vector.extract %reduce_sum3A_1064[15] : f32 from vector<16xf32>
      %add3A_1066 = vector.broadcast %reduce_sum3A_1065 : f32 to vector<16xf32>
      %add3A_1067 = arith.addf %select_n3A_1023, %add3A_1066 : vector<16xf32>
      %select_n3A_1068 = arith.select %eq3A_1054, %add3A_1067, %select_n3A_1023 : vector<16xi1>, vector<16xf32>
      %swap3A = arith.index_cast %multiple_of3A : i32 to index
      %swap3A_1069 = tpu.vector_load %arg20[%swap3A] {strides = array<i32>} : memref<512xf32, #tpu.memory_space<vmem>>, vector<16xf32>,
      tpu.vector_store %arg20[%swap3A], %select_n3A_1061 {strides = array<i32>} : memref<512xf32, #tpu.memory_space<vmem>>, vector<16xf32>,
      %swap3A_1070 = arith.index_cast %multiple_of3A : i32 to index
      %swap3A_1071 = tpu.vector_load %arg21[%swap3A_1070] {strides = array<i32>} : memref<512xf32, #tpu.memory_space<vmem>>, vector<16xf32>,
      tpu.vector_store %arg21[%swap3A_1070], %select_n3A_1068 {strides = array<i32>} : memref<512xf32, #tpu.memory_space<vmem>>, vector<16xf32>,
    }
    %scan3A_341 = arith.constant 32 : i32
    "tpu.region"() ({
      %run_scoped3A = tpu.sem_alloc : memref<!tpu.dma_semaphore, #tpu.memory_space<semaphore_mem>>
      %dma_start3A_342 = tpu.memref_slice %arg9[%mul3A_2] : memref<16384xf32, #tpu.memory_space<hbm>> -> memref<512xf32, #tpu.memory_space<hbm>>
      %dma_start3A_343 = tpu.memref_slice %arg9[%mul3A_2] : memref<16384xf32, #tpu.memory_space<hbm>> -> memref<512xf32, #tpu.memory_space<hbm>>
      tpu.enqueue_dma source(%arg20 : memref<512xf32, #tpu.memory_space<vmem>>) target(%dma_start3A_343 : memref<512xf32, #tpu.memory_space<hbm>>) target_semaphore(%run_scoped3A : memref<!tpu.dma_semaphore, #tpu.memory_space<semaphore_mem>>)
      %dma_wait3A_344 = tpu.memref_slice %arg9[%mul3A_2] : memref<16384xf32, #tpu.memory_space<hbm>> -> memref<512xf32, #tpu.memory_space<hbm>>
      %dma_wait3A_345 = tpu.memref_slice %arg9[%mul3A_2] : memref<16384xf32, #tpu.memory_space<hbm>> -> memref<512xf32, #tpu.memory_space<hbm>>
      tpu.wait_dma2 semaphore(%run_scoped3A : memref<!tpu.dma_semaphore, #tpu.memory_space<semaphore_mem>>) src(%arg20 : memref<512xf32, #tpu.memory_space<vmem>>) dst(%dma_wait3A_345 : memref<512xf32, #tpu.memory_space<hbm>>)
      tpu.yield
    }) : () -> ()
    "tpu.region"() ({
      %run_scoped3A = tpu.sem_alloc : memref<!tpu.dma_semaphore, #tpu.memory_space<semaphore_mem>>
      %dma_start3A_342 = tpu.memref_slice %arg10[%mul3A_2] : memref<16384xf32, #tpu.memory_space<hbm>> -> memref<512xf32, #tpu.memory_space<hbm>>
      %dma_start3A_343 = tpu.memref_slice %arg10[%mul3A_2] : memref<16384xf32, #tpu.memory_space<hbm>> -> memref<512xf32, #tpu.memory_space<hbm>>
      tpu.enqueue_dma source(%arg21 : memref<512xf32, #tpu.memory_space<vmem>>) target(%dma_start3A_343 : memref<512xf32, #tpu.memory_space<hbm>>) target_semaphore(%run_scoped3A : memref<!tpu.dma_semaphore, #tpu.memory_space<semaphore_mem>>)
      %dma_wait3A_344 = tpu.memref_slice %arg10[%mul3A_2] : memref<16384xf32, #tpu.memory_space<hbm>> -> memref<512xf32, #tpu.memory_space<hbm>>
      %dma_wait3A_345 = tpu.memref_slice %arg10[%mul3A_2] : memref<16384xf32, #tpu.memory_space<hbm>> -> memref<512xf32, #tpu.memory_space<hbm>>
      tpu.wait_dma2 semaphore(%run_scoped3A : memref<!tpu.dma_semaphore, #tpu.memory_space<semaphore_mem>>) src(%arg21 : memref<512xf32, #tpu.memory_space<vmem>>) dst(%dma_wait3A_345 : memref<512xf32, #tpu.memory_space<hbm>>)
      tpu.yield
    }) : () -> ()
    return
  }
}

module attributes {stable_mosaic.version = 14 : i64} {
  func.func @_loss_body(%arg0: memref<128x128xf32, #tpu.memory_space<vmem>>, %arg1: memref<128x128xf32, #tpu.memory_space<vmem>>, %arg2: memref<1x1xf32, #tpu.memory_space<smem>>) attributes {dimension_semantics = [], scalar_prefetch = 0 : i64, scratch_operands = 0 : i64, tpu.core_type = #tpu.core_type<tc>} {
    %get3A = arith.constant 0 : index
    %get3A_0 = arith.constant 0 : index
    %get3A_1 = vector.load %arg0[%get3A, %get3A_0] : memref<128x128xf32, #tpu.memory_space<vmem>>, vector<128x128xf32>
    %get3A_2 = arith.constant 0 : index
    %get3A_3 = arith.constant 0 : index
    %get3A_4 = vector.load %arg1[%get3A_2, %get3A_3] : memref<128x128xf32, #tpu.memory_space<vmem>>, vector<128x128xf32>
    %sub3A = arith.subf %get3A_1, %get3A_4 : vector<128x128xf32>
    %min3A = arith.constant 0.000000e+00 : f32
    %min3A_5 = vector.broadcast %min3A : f32 to vector<128x128xf32>
    %min3A_6 = arith.minimumf %sub3A, %min3A_5 : vector<128x128xf32>
    %abs3A = math.absf %sub3A : vector<128x128xf32>
    %neg3A = arith.constant 0.000000e+00 : f32
    %neg3A_7 = vector.broadcast %neg3A : f32 to vector<128x128xf32>
    %neg3A_8 = arith.subf %neg3A_7, %abs3A : vector<128x128xf32>
    %exp3A = math.exp %neg3A_8 : vector<128x128xf32>
    %log1p3A = math.log1p %exp3A : vector<128x128xf32>
    %sub3A_9 = arith.subf %min3A_6, %log1p3A : vector<128x128xf32>
    %reduce_sum3A = vector.shape_cast %sub3A_9 : vector<128x128xf32> to vector<1x128x128xf32>
    %reduce_sum3A_10 = arith.constant dense<0.000000e+00> : vector<1xf32>
    %reduce_sum3A_11 = vector.multi_reduction <add>, %reduce_sum3A, %reduce_sum3A_10 [1, 2] : vector<1x128x128xf32> to vector<1xf32>
    %reduce_sum3A_12 = vector.shape_cast %reduce_sum3A_11 : vector<1xf32> to vector<1x1x1xf32>
    %reduce_sum3A_13 = vector.extract %reduce_sum3A_12[0, 0, 0] : f32 from vector<1x1x1xf32>
    %neg3A_14 = arith.constant 0.000000e+00 : f32
    %neg3A_15 = arith.subf %neg3A_14, %reduce_sum3A_13 : f32
    %div3A = arith.constant 1.638400e+04 : f32
    %div3A_16 = arith.divf %neg3A_15, %div3A : f32
    %swap3A = arith.constant 0 : index
    %swap3A_17 = arith.constant 0 : index
    %swap3A_18 = memref.load %arg2[%swap3A, %swap3A_17] : memref<1x1xf32, #tpu.memory_space<smem>>
    memref.store %div3A_16, %arg2[%swap3A, %swap3A_17] : memref<1x1xf32, #tpu.memory_space<smem>>
    return
  }
}

</mosaic_0001>

<sc_bundles>
// kernel: kernel.4.cloned.1.call-start
scs
__scs_entry_jumppad:
0x0: {  	(pc) =	sbr.rel $0x88, $3  }
0x1: {  	(tag) =	ssettag $0x0;
	lr =	simm.s32 $0x1  }
0x2: {  	[smem:$0x3F9A] =	sst lr;
	_ =	strace $0xD0000000  }
0x3: {  	_ = 	snop  }
0x4: {  	_ = 	snop  }
0x5: {  	_ = 	snop  }
0x6: {  	_ = 	snop  }
0x7: {  	_ = 	snop  }
__scs_overlays_trampoline_lowered:
0x8: {  	[smem:$0x3FA9] =	sst s0  }
0x9: {  	[smem:$0x3FAA] =	sst s1  }
0xa: {  	[smem:$0x3FAB] =	sst s2  }
0xb: {  	[smem:$0x3FAC] =	sst s3  }
0xc: {  	[smem:$0x3FAD] =	sst s4  }
0xd: {  	[smem:$0x3FAE] =	sst s5  }
0xe: {  	[smem:$0x3FAF] =	sst s6  }
0xf: {  	[smem:$0x3FB0] =	sst s7  }
0x10: {  	[smem:$0x3FB1] =	sst s8  }
0x11: {  	[smem:$0x3FB2] =	sst s9;
	s0 =	simm.s32 @!p0 $0x0  }
0x12: {  	s1 =	sld [smem:$0x3F98];
	s0 =	simm.s32 @p0 $0x1  }
0x13: {  	[smem:$0x3FB3] =	sst s0;
	s0 =	simm.s32 @!p1 $0x0  }
0x14: {  	s2 =	sld [smem:$0x3F97];
	s0 =	simm.s32 @p1 $0x1  }
0x15: {  	[smem:$0x3FB4] =	sst s0;
	s0 =	simm.s32 @!p2 $0x0  }
0x16: {  	s3 =	sld [smem:$0x3FDB];
	s0 =	simm.s32 @p2 $0x1  }
0x17: {  	s4 =	simm.s32 $0x1BF5;
	[smem:$0x3FB6] =	sst s0  }
0x18: {  	s0 =	sld [smem:$0x3F99];
	_ =	swait.ge [sflag:s4], $0x0  }
0x19: {  	s7 =	sld [smem:$0x3F9A]  }
0x1a: {  	s8 =	sadd.s32 $0xFFFFE003, lr  }
0x1b: {  	s9 =	sadd.s32 $0xFFFFFEF7, lr;
	s5 =	simm.s32 $0xFFFFFFFF;
	p2 =	slt.u32 s8, $0xFFFFF086  }
0x1c: {  	p1 =	slt.u32 s9, $0xF7A;
	s5 =	simm.s32 @!p2 $0x0  }
0x1d: {  	s5 =	simm.s32 @p1 $0x1;
	p0 =	seq.s32 s7, s2  }
0x1e: {  	s7 =	smul.u32 @!p0 $0xF7A, s2;
	p2 =	seq.s32 @!p0 s5, $0x0  }
0x1f: {  	s9 =	smul.u32 $0xF7A, s1;
	s8 =	simm.s32 @!p0 $0x1BF5;
	p2 =	por !p2, p0  }
0x20: {  	[sflag:s8] =	ssyncset.s32 @!p0 $0xFFFFF086;
	s6 =	sadd.s32 @!p0 s3, s7;
	s7 =	simm.s32 @!p0 $0x108  }
0x21: {  	s3 =	sadd.s32 s3, s9;
	s6 =	sadd.s32 @!p0 $0x88, s6;
	s7 =	simm.s32 @p2 $0x1082  }
0x22: {  	[simem:s7], [sflag:s8] =	dma.local @!p0 [hbm:s6], $0xF7A  }
0x23: {  	s9 =	sor.u32 $0xD0000000, s2;
	s6 =	simm.s32 $0x108;
	_ =	swait.ge @!p0 [sflag:s8], $0x0  }
0x24: {  	s3 =	sadd.s32 $0x88, s3;
	s6 =	simm.s32 @!p1 $0x1082;
	[sflag:s4] =	ssyncset.s32 $0xFFFFF086  }
0x25: {  	[simem:s6], [sflag:s4] =	dma.local [hbm:s3], $0xF7A  }
0x26: {  	[smem:$0x3F9A] =	sst s1;
	(tag) =	ssettag s2;
	_ =	strace s9  }
0x27: {  	s1 =	sld [smem:$0x3FAA]  }
0x28: {  	s2 =	sld [smem:$0x3FAB]  }
0x29: {  	s4 =	sld [smem:$0x3FAD]  }
0x2a: {  	p0 =	seq.s32 s5, $0x0;
	s5 =	sld [smem:$0x3FAE]  }
0x2b: {  	s6 =	sld [smem:$0x3FAF]  }
0x2c: {  	s7 =	sld [smem:$0x3FB0]  }
0x2d: {  	s3 =	simm.s32 $0x108;
	s8 =	sld [smem:$0x3FB1]  }
0x2e: {  	s3 =	simm.s32 @!p0 $0x1082;
	s9 =	sld [smem:$0x3FB2]  }
0x2f: {  	lr =	sadd.s32 s0, s3;
	s0 =	sld [smem:$0x3FA9]  }
0x30: {  	s3 =	sld [smem:$0x3FAC]  }
0x31: {  	[smem:$0x3FB5] =	sst s10  }
0x32: {  	s10 =	sld [smem:$0x3FB3];
	_ =	sdelay $0x3  }
0x33: {  	p0 =	seq.s32 s10, $0x1;
	s10 =	sld [smem:$0x3FB5];
	_ =	sdelay $0x3  }
0x34: {  	[smem:$0x3FB5] =	sst s10  }
0x35: {  	s10 =	sld [smem:$0x3FB4];
	_ =	sdelay $0x3  }
0x36: {  	p1 =	seq.s32 s10, $0x1;
	s10 =	sld [smem:$0x3FB5];
	_ =	sdelay $0x3  }
0x37: {  	[smem:$0x3FB5] =	sst s10  }
0x38: {  	s10 =	sld [smem:$0x3FB6]  }
0x39: {  	_ = 	snop;
	(pc) =	sbr.ind lr, $3  }
0x3a: {  	_ = 	snop  }
0x3b: {  	_ = 	snop  }
0x3c: {  	p2 =	seq.s32 s10, $0x1;
	s10 =	sld [smem:$0x3FB5]  }
0x3d: {  	_ =	shalt  }
0x3e: {  	_ =	shalt  }
0x3f: {  	_ =	shalt  }
0x40: {  	_ =	shalt  }
0x41: {  	_ =	shalt  }
0x42: {  	_ =	shalt  }
0x43: {  	_ =	shalt  }
0x44: {  	_ =	shalt  }
0x45: {  	_ =	shalt  }
0x46: {  	_ =	shalt  }
0x47: {  	_ =	shalt  }
0x48: {  	_ =	shalt  }
0x49: {  	_ =	shalt  }
0x4a: {  	_ =	shalt  }
0x4b: {  	_ =	shalt  }
0x4c: {  	_ =	shalt  }
0x4d: {  	_ =	shalt  }
0x4e: {  	_ =	shalt  }
0x4f: {  	_ =	shalt  }
0x50: {  	_ =	shalt  }
0x51: {  	_ =	shalt  }
0x52: {  	_ =	shalt  }
0x53: {  	_ =	shalt  }
0x54: {  	_ =	shalt  }
0x55: {  	_ =	shalt  }
0x56: {  	_ =	shalt  }
0x57: {  	_ =	shalt  }
0x58: {  	_ =	shalt  }
0x59: {  	_ =	shalt  }
0x5a: {  	_ =	shalt  }
0x5b: {  	_ =	shalt  }
0x5c: {  	_ =	shalt  }
0x5d: {  	_ =	shalt  }
0x5e: {  	_ =	shalt  }
0x5f: {  	_ =	shalt  }
0x60: {  	_ =	shalt  }
0x61: {  	_ =	shalt  }
0x62: {  	_ =	shalt  }
0x63: {  	_ =	shalt  }
0x64: {  	_ =	shalt  }
0x65: {  	_ =	shalt  }
0x66: {  	_ =	shalt  }
0x67: {  	_ =	shalt  }
0x68: {  	_ =	shalt  }
0x69: {  	_ =	shalt  }
0x6a: {  	_ =	shalt  }
0x6b: {  	_ =	shalt  }
0x6c: {  	_ =	shalt  }
0x6d: {  	_ =	shalt  }
0x6e: {  	_ =	shalt  }
0x6f: {  	_ =	shalt  }
0x70: {  	_ =	shalt  }
0x71: {  	_ =	shalt  }
0x72: {  	_ =	shalt  }
0x73: {  	_ =	shalt  }
0x74: {  	_ =	shalt  }
0x75: {  	_ =	shalt  }
0x76: {  	_ =	shalt  }
0x77: {  	_ =	shalt  }
0x78: {  	_ =	shalt  }
0x79: {  	_ =	shalt  }
0x7a: {  	_ =	shalt  }
0x7b: {  	_ =	shalt  }
0x7c: {  	_ =	shalt  }
0x7d: {  	_ =	shalt  }
0x7e: {  	_ =	shalt  }
0x7f: {  	_ =	shalt  }
0x80: {  	_ =	shalt  }
0x81: {  	_ =	shalt  }
0x82: {  	_ =	shalt  }
0x83: {  	_ =	shalt  }
0x84: {  	_ =	shalt  }
0x85: {  	_ =	shalt  }
0x86: {  	_ =	shalt  }
0x87: {  	_ =	shalt  }
.Lfunc_end0:
.L_simem_size_0:
called_computation_lowered:
.L_overlay_start_0:
0x88: {  	s2 =	sld [smem:$0x3FD9]  }
0x89: {  	s3 =	sld [smem:$0x3FFE];
	_ =	sdelay $0x1  }
0x8a: {  	s1 =	srdreg.scid  }
0x8b: {  	s0 =	sand.u32 $0x1, s1  }
0x8c: {  	s14 =	sshll.u32 s0, $0xA;
	s2 =	sadd.s32 s3, s2  }
0x8d: {  	s2 =	sadd.s32 s2, s14  }
0x8e: {  	[smem:$0x3FC1] =	sst s2  }
0x8f: {  	_ = 	snop  }
0x90: {  	s2 =	sld [smem:$0x3FD0]  }
0x91: {  	s15 =	sld [smem:$0x3FC9]  }
0x92: {  	s4 =	sld [smem:$0x3FC8]  }
0x93: {  	s6 =	simm.s32 $0xA;
	s7 =	simm.s32 $0x10;
	s5 =	sld [smem:$0x3FC7]  }
0x94: {  	[smem:s7], [sflag:s6] =	dma.local [hbm:s2], $0x1  }
0x95: {  	_ =	swait.eq [sflag:s6], $0x1  }
0x96: {  	[sflag:s6] =	ssyncset.done $0x0  }
0x97: {  	s16 =	sld [smem:$0x10];
	[sflag:s6] =	ssyncadd.s32 $0xFFFFFFFF  }
0x98: {  	s17 =	sld [smem:$0x11];
	(tm) =	ssettm $0x1  }
0x99: {  	s18 =	sld [smem:$0x3FFB];
	_ =	sdelay $0x3  }
0x9a: {  	_ =	strace s18  }
0x9b: {  	s7 =	sld [smem:$0x3FFC];
	_ =	sdelay $0x3  }
0x9c: {  	_ =	strace s7  }
0x9d: {  	s7 =	sld [smem:$0x3FFD];
	_ =	sdelay $0x3  }
0x9e: {  	_ =	strace s7  }
0x9f: {  	_ =	strace $0x8FFFFFFF  }
0xa0: {  	s19 =	sld [smem:$0x3FDB];
	_ =	sdelay $0x1  }
0xa1: {  	s8 =	simm.s32 $_scs_section_size  }
0xa2: {  	s9 =	simm.s32 $_size__tile_overlayer_lowered;
	s10 =	simm.s32 $_tile_overlayer_lowered  }
0xa3: {  	s22 =	simm.s32 $0x1BFF;
	s21 =	sshll.u32 s10, $0x1;
	s7 =	sadd.s32 s8, s19  }
0xa4: {  	s11 =	simm.s32 $0x0;
	s20 =	sshll.u32 s9, $0x1;
	s9 =	sadd.s32 s21, s7  }
0xa5: {  	[timem:s11], [sflag:s22] =	dma.local [hbm:s9], s20  }
0xa6: {  	_ =	swait.ge [sflag:s22], s20  }
0xa7: {  	s8 =	ssub.s32 $0x0, s20;
	[sflag:s22] =	ssyncset.done $0x0  }
0xa8: {  	[sflag:s22] =	ssyncadd.s32 s8;
	_ =	sdelay $0x1  }
0xa9: {  	s23 =	simm.s32 $0x1B8B  }
0xaa: {  	_ =	swait.ge [sflag:s23], $0x1  }
0xab: {  	[sflag:s23] =	ssyncset.done $0x0  }
0xac: {  	s25 =	simm.s32 $0x1B8E;
	s24 =	sld [smem:$0x3FFE];
	[sflag:s23] =	ssyncadd.s32 $0xFFFFFFFF  }
0xad: {  	s26 =	simm.s32 $execute0_lowered;
	[smem:$0x3FD2] =	sst s25  }
0xae: {  	s9 =	sshll.u32 s26, $0x1;
	_ =	strace $0x80000046;
	[dreg:$0x1] =	wrdreg $0xFFFFFFFF  }
0xaf: {  	s28 =	simm.s32 $_size_execute0_lowered;
	s7 =	sadd.s32 s7, s9;
	[dreg:$0x0] =	wrdreg $0x0  }
0xb0: {  	s9 =	sshll.u32 s28, $0x1;
	[dreg:$0x2] =	wrdreg s7  }
0xb1: {  	[dreg:$0x3] =	wrdreg s9  }
0xb2: {  	[dreg:$0x4] =	wrdreg $0xC0  }
0xb3: {  	_ =	task [dreg:s11], $0x5FFFF  }
0xb4: {  	[dreg:$0x1] =	wrdreg $0xFFFFFFFF  }
0xb5: {  	[dreg:$0x0] =	wrdreg $0x60  }
0xb6: {  	[dreg:$0x2] =	wrdreg s15  }
0xb7: {  	[dreg:$0x3] =	wrdreg s4  }
0xb8: {  	[dreg:$0x4] =	wrdreg s5  }
0xb9: {  	[dreg:$0x5] =	wrdreg s24  }
0xba: {  	[dreg:$0x6] =	wrdreg s16  }
0xbb: {  	[dreg:$0x7] =	wrdreg s17  }
0xbc: {  	[dreg:$0x8] =	wrdreg $0x9  }
0xbd: {  	_ =	task.clear_ibuf [dreg:s11], $0x9FFFF;
	_ =	strace $0x90000046  }
0xbe: {  	s29 =	simm.s32 $0x9;
	_ =	strace $0x80000048  }
0xbf: {  	_ =	swait.ge [sflag:s29], $0x1  }
0xc0: {  	[sflag:s29] =	ssyncadd.s32 $0xFFFFFFFF  }
0xc1: {  	_ =	strace $0x90000048  }
0xc2: {  	_ =	sfence  }
0xc3: {  	s30 =	sld [smem:$0x0];
	_ =	sdelay $0x2  }
0xc4: {  	s31 =	sshll.u32 s1, $0xD;
	s1 =	sshrl.u32 s1, $0x2  }
0xc5: {  	s3 =	sand.u32 $0x4000, s31;
	s1 =	sadd.s32 s1, s30  }
0xc6: {  	s0 =	sor.u32 s3, s0;
	s1 =	sshll.u32 s1, $0x11  }
0xc7: {  	s0 =	sor.u32 s1, s0  }
0xc8: {  	s0 =	sadd.s32 $0x8F2B, s0  }
0xc9: {  	[sflag:s0] =	ssyncadd.remote.s32 $0x1  }
0xca: {  	_ =	sfence.sel $0xFFFF  }
0xcb: {  	[dreg:$0x0] =	wrdreg $0xFFFFFFFF;
	(pc) =	sbr.abs _section_cstart, $3  }
0xcc: {  	[dreg:$0x1] =	wrdreg $0xFFFFFFFF  }
0xcd: {  	_ =	task.clear_ibuf [dreg:s11], $0x2FFFF;
	_ =	strace $0x9FFFFFFF  }
0xce: {  	(tm) =	ssettm $0x7FFFFFFF  }
0xcf: {  	_ =	shalt  }
tec
execute0_lowered:
.L_overlay_start_1:
0x0: {  	(tag) =	ssettag $0x1  }
0x1: {  	s0 =	rddreg [dreg:$0x0]  }
0x2: {  	s2 =	rddreg [dreg:$0x1]  }
0x3: {  	s9 =	rddreg [dreg:$0x2]  }
0x4: {  	s6 =	rddreg [dreg:$0x3]  }
0x5: {  	s10 =	rddreg [dreg:$0x4]  }
0x6: {  	s11 =	rddreg [dreg:$0x5];
	s1 =	simm.s32 $0x0  }
0x7: {  	s5 =	srdreg.scid;
	s8 =	stileid.u32;
	s14 =	simm.s32 $0x200  }
0x8: {  	s15 =	simm.s32 $0x400;
	s16 =	simm.s32 $0x80;
	s24 =	simm.s32 $0x280  }
0x9: {  	s26 =	simm.s32 $0x480;
	s17 =	simm.s32 $0x300;
	s19 =	simm.s32 $0x500  }
0xa: {  	s25 =	simm.s32 $0x180;
	s29 =	simm.s32 $0x380;
	s31 =	simm.s32 $0x580  }
0xb: {  	vm1 =	vcmask $0x30C;
	s22 =	simm.s32 $0x1;
	s28 =	simm.s32 $0xCE00;
	[smem:$0x7FF] =	sst s1  }
0xc: {  	vm0 =	vmmov $0x1;
	vm2 =	vcmask $0xF0C;
	vm3 =	vcmask $0x714;
	s30 =	simm.s32 $0x0;
	s3 =	sadd.s32 $0x1313400, s6;
	s4 =	sadd.s32 $0xF42A00, s6  }
0xd: {  	vm4 =	vcmask $0xF18;
	vm5 =	vcmask $0x131C;
	vm6 =	vcmask $0x1F1C;
	s5 =	sand.u32 $0x1, s5;
	s8 =	sshll.u32 s8, $0x7;
	_ =	strace $0x80000047  }
0xe: {  	vm7 =	vcmask $0x1724;
	vm8 =	vcmask $0x1F28;
	vm9 =	vcmask $0x232C;
	s7 =	ssub.s32 $0x2, s5;
	s12 =	sshll.u32 s5, $0x6;
	s5 =	sadd.s32 $0x1F000, s6  }
0xf: {  	vm10 =	vcmask $0x2F2C;
	vm11 =	vcmask $0x2734;
	vm12 =	vcmask $0x2F38;
	s6 =	sadd.s32 $0x600, s6;
	s13 =	sshrl.u32 s7, $0x1;
	s12 =	sor.u32 s12, s8  }
0x10: {  	vm13 =	vcmask $0x333C;
	vm14 =	vmmov $0x3fff;
	vm15 =	vmmov $0x7fff;
	s13 =	ssub.s32 s7, s13;
	s7 =	sadd.s32 s0, s12;
	s8 =	sadd.s32 s2, s12  }
0x11: {  	vm2 =	vmor vm3, vm2;
	vm3 =	vcmask $0xB14;
	vm6 =	vmor vm7, vm6;
	s9 =	sadd.s32 s9, s12;
	s10 =	sadd.s32 s10, s12;
	s11 =	sadd.s32 s11, s12  }
0x12: {  	vm7 =	vcmask $0x1B24;
	vm10 =	vmor vm11, vm10;
	vm11 =	vcmask $0x2B34;
	s0 =	simm.s32 $0x100;
	s12 =	smax.u32 s13, $0x1;
	s13 =	simm.s32 $0x2  }
.LBB2_1:
0x13: {  	[tilespmem:s1], [sflag:$0x2] =	stream.linear.gather [hbm4b:s7+s1], $0x200, $0x38;
	[tilespmem:$0xD000] =	vst v63  }
0x14: {  	_ =	swait.ge [sflag:s13], $0x200  }
0x15: {  	[sflag:s13] =	ssyncset.done $0x0  }
0x16: {  	[sflag:s13] =	ssyncadd.s32 $0xFFFFFE00  }
0x17: {  	[tilespmem:s14], [sflag:$0x2] =	stream.linear.gather [hbm4b:s8+s1], $0x200, $0x38;
	[tilespmem:$0xD000] =	vst v63  }
0x18: {  	_ =	swait.ge [sflag:s13], $0x200  }
0x19: {  	[sflag:s13] =	ssyncset.done $0x0  }
0x1a: {  	[sflag:s13] =	ssyncadd.s32 $0xFFFFFE00  }
0x1b: {  	[tilespmem:s15], [sflag:$0x2] =	stream.linear.gather [hbm4b:s9+s1], $0x200, $0x38;
	[tilespmem:$0xD000] =	vst v63  }
0x1c: {  	_ =	swait.ge [sflag:s13], $0x200  }
0x1d: {  	[sflag:s13] =	ssyncset.done $0x0  }
0x1e: {  	s2 =	simm.s32 $0x600;
	[sflag:s13] =	ssyncadd.s32 $0xFFFFFE00  }
0x1f: {  	[tilespmem:s2], [sflag:$0x1] =	stream.indirect.gather [hbm4b:s3+s16], $0x20, s1, s16, $0xb8;
	[tilespmem:$0xD000] =	vst v63  }
0x20: {  	s20 =	simm.s32 $0x4600  }
0x21: {  	[tilespmem:s20], [sflag:$0x1] =	stream.indirect.gather [hbm4b:s4+s16], $0x20, s14, s16, $0xb8;
	[tilespmem:$0xD000] =	vst v63  }
0x22: {  	s21 =	simm.s32 $0x8600  }
0x23: {  	[tilespmem:s21], [sflag:$0x1] =	stream.indirect.gather [hbm4b:s4+s16], $0x20, s15, s16, $0xb8;
	[tilespmem:$0xD000] =	vst v63  }
0x24: {  	s23 =	simm.s32 $0xC600  }
0x25: {  	[tilespmem:s23], [sflag:$0x1] =	stream.indirect.gather [hbm4b:s5+s16], $0x1, s1, s16, $0xb8;
	[tilespmem:$0xD000] =	vst v63  }
0x26: {  	s18 =	simm.s32 $0xC800  }
0x27: {  	[tilespmem:s18], [sflag:$0x1] =	stream.indirect.gather [hbm4b:s6+s16], $0x1, s14, s16, $0xb8;
	[tilespmem:$0xD000] =	vst v63  }
0x28: {  	s20 =	simm.s32 $0xCA00  }
0x29: {  	[tilespmem:s20], [sflag:$0x1] =	stream.indirect.gather [hbm4b:s6+s16], $0x1, s15, s16, $0xb8;
	[tilespmem:$0xD000] =	vst v63  }
0x2a: {  	s21 =	simm.s32 $0x1600  }
0x2b: {  	[tilespmem:s21], [sflag:$0x1] =	stream.indirect.gather [hbm4b:s3+s16], $0x20, s16, s16, $0xb8;
	[tilespmem:$0xD000] =	vst v63  }
0x2c: {  	s23 =	simm.s32 $0x5600  }
0x2d: {  	[tilespmem:s23], [sflag:$0x1] =	stream.indirect.gather [hbm4b:s4+s16], $0x20, s24, s16, $0xb8;
	[tilespmem:$0xD000] =	vst v63  }
0x2e: {  	s18 =	simm.s32 $0x9600  }
0x2f: {  	[tilespmem:s18], [sflag:$0x1] =	stream.indirect.gather [hbm4b:s4+s16], $0x20, s26, s16, $0xb8;
	[tilespmem:$0xD000] =	vst v63  }
0x30: {  	s20 =	simm.s32 $0xC680  }
0x31: {  	[tilespmem:s20], [sflag:$0x1] =	stream.indirect.gather [hbm4b:s5+s16], $0x1, s16, s16, $0xb8;
	[tilespmem:$0xD000] =	vst v63  }
0x32: {  	s21 =	simm.s32 $0xC880  }
0x33: {  	[tilespmem:s21], [sflag:$0x1] =	stream.indirect.gather [hbm4b:s6+s16], $0x1, s24, s16, $0xb8;
	[tilespmem:$0xD000] =	vst v63  }
0x34: {  	s23 =	simm.s32 $0xCA80  }
0x35: {  	[tilespmem:s23], [sflag:$0x1] =	stream.indirect.gather [hbm4b:s6+s16], $0x1, s26, s16, $0xb8;
	[tilespmem:$0xD000] =	vst v63  }
0x36: {  	s18 =	simm.s32 $0x2600  }
0x37: {  	[tilespmem:s18], [sflag:$0x1] =	stream.indirect.gather [hbm4b:s3+s16], $0x20, s0, s16, $0xb8;
	[tilespmem:$0xD000] =	vst v63  }
0x38: {  	s20 =	simm.s32 $0x6600  }
0x39: {  	[tilespmem:s20], [sflag:$0x1] =	stream.indirect.gather [hbm4b:s4+s16], $0x20, s17, s16, $0xb8;
	[tilespmem:$0xD000] =	vst v63  }
0x3a: {  	s21 =	simm.s32 $0xA600  }
0x3b: {  	[tilespmem:s21], [sflag:$0x1] =	stream.indirect.gather [hbm4b:s4+s16], $0x20, s19, s16, $0xb8;
	[tilespmem:$0xD000] =	vst v63  }
0x3c: {  	s23 =	simm.s32 $0xC700  }
0x3d: {  	[tilespmem:s23], [sflag:$0x1] =	stream.indirect.gather [hbm4b:s5+s16], $0x1, s0, s16, $0xb8;
	[tilespmem:$0xD000] =	vst v63  }
0x3e: {  	s18 =	simm.s32 $0xC900  }
0x3f: {  	[tilespmem:s18], [sflag:$0x1] =	stream.indirect.gather [hbm4b:s6+s16], $0x1, s17, s16, $0xb8;
	[tilespmem:$0xD000] =	vst v63  }
0x40: {  	s20 =	simm.s32 $0xCB00  }
0x41: {  	[tilespmem:s20], [sflag:$0x1] =	stream.indirect.gather [hbm4b:s6+s16], $0x1, s19, s16, $0xb8;
	[tilespmem:$0xD000] =	vst v63  }
0x42: {  	s21 =	simm.s32 $0x3600  }
0x43: {  	[tilespmem:s21], [sflag:$0x1] =	stream.indirect.gather [hbm4b:s3+s16], $0x20, s25, s16, $0xb8;
	[tilespmem:$0xD000] =	vst v63  }
0x44: {  	s23 =	simm.s32 $0x7600  }
0x45: {  	[tilespmem:s23], [sflag:$0x1] =	stream.indirect.gather [hbm4b:s4+s16], $0x20, s29, s16, $0xb8;
	[tilespmem:$0xD000] =	vst v63  }
0x46: {  	s18 =	simm.s32 $0xB600  }
0x47: {  	[tilespmem:s18], [sflag:$0x1] =	stream.indirect.gather [hbm4b:s4+s16], $0x20, s31, s16, $0xb8;
	[tilespmem:$0xD000] =	vst v63  }
0x48: {  	s20 =	simm.s32 $0xC780  }
0x49: {  	[tilespmem:s20], [sflag:$0x1] =	stream.indirect.gather [hbm4b:s5+s16], $0x1, s25, s16, $0xb8;
	[tilespmem:$0xD000] =	vst v63  }
0x4a: {  	s21 =	simm.s32 $0xC980  }
0x4b: {  	[tilespmem:s21], [sflag:$0x1] =	stream.indirect.gather [hbm4b:s6+s16], $0x1, s29, s16, $0xb8;
	[tilespmem:$0xD000] =	vst v63  }
0x4c: {  	s23 =	simm.s32 $0xCB80  }
0x4d: {  	[tilespmem:s23], [sflag:$0x1] =	stream.indirect.gather [hbm4b:s6+s16], $0x1, s31, s16, $0xb8;
	[tilespmem:$0xD000] =	vst v63  }
0x4e: {  	_ =	swait.ge [sflag:s22], $0x1000  }
0x4f: {  	[sflag:s22] =	ssyncset.done $0x0  }
0x50: {  	[sflag:s22] =	ssyncadd.s32 $0xFFFFF000  }
0x51: {  	_ =	swait.ge [sflag:s22], $0x1000  }
0x52: {  	[sflag:s22] =	ssyncset.done $0x0  }
0x53: {  	[sflag:s22] =	ssyncadd.s32 $0xFFFFF000  }
0x54: {  	_ =	swait.ge [sflag:s22], $0x1000  }
0x55: {  	[sflag:s22] =	ssyncset.done $0x0  }
0x56: {  	[sflag:s22] =	ssyncadd.s32 $0xFFFFF000  }
0x57: {  	_ =	swait.ge [sflag:s22], $0x80  }
0x58: {  	[sflag:s22] =	ssyncset.done $0x0  }
0x59: {  	[sflag:s22] =	ssyncadd.s32 $0xFFFFFF80  }
0x5a: {  	_ =	swait.ge [sflag:s22], $0x80  }
0x5b: {  	[sflag:s22] =	ssyncset.done $0x0  }
0x5c: {  	[sflag:s22] =	ssyncadd.s32 $0xFFFFFF80  }
0x5d: {  	_ =	swait.ge [sflag:s22], $0x80  }
0x5e: {  	[sflag:s22] =	ssyncset.done $0x0  }
0x5f: {  	[sflag:s22] =	ssyncadd.s32 $0xFFFFFF80  }
0x60: {  	_ =	swait.ge [sflag:s22], $0x1000  }
0x61: {  	[sflag:s22] =	ssyncset.done $0x0  }
0x62: {  	[sflag:s22] =	ssyncadd.s32 $0xFFFFF000  }
0x63: {  	_ =	swait.ge [sflag:s22], $0x1000  }
0x64: {  	[sflag:s22] =	ssyncset.done $0x0  }
0x65: {  	[sflag:s22] =	ssyncadd.s32 $0xFFFFF000  }
0x66: {  	_ =	swait.ge [sflag:s22], $0x1000  }
0x67: {  	[sflag:s22] =	ssyncset.done $0x0  }
0x68: {  	[sflag:s22] =	ssyncadd.s32 $0xFFFFF000  }
0x69: {  	_ =	swait.ge [sflag:s22], $0x80  }
0x6a: {  	[sflag:s22] =	ssyncset.done $0x0  }
0x6b: {  	[sflag:s22] =	ssyncadd.s32 $0xFFFFFF80  }
0x6c: {  	_ =	swait.ge [sflag:s22], $0x80  }
0x6d: {  	[sflag:s22] =	ssyncset.done $0x0  }
0x6e: {  	[sflag:s22] =	ssyncadd.s32 $0xFFFFFF80  }
0x6f: {  	_ =	swait.ge [sflag:s22], $0x80  }
0x70: {  	[sflag:s22] =	ssyncset.done $0x0  }
0x71: {  	[sflag:s22] =	ssyncadd.s32 $0xFFFFFF80  }
0x72: {  	_ =	swait.ge [sflag:s22], $0x1000  }
0x73: {  	[sflag:s22] =	ssyncset.done $0x0  }
0x74: {  	[sflag:s22] =	ssyncadd.s32 $0xFFFFF000  }
0x75: {  	_ =	swait.ge [sflag:s22], $0x1000  }
0x76: {  	[sflag:s22] =	ssyncset.done $0x0  }
0x77: {  	[sflag:s22] =	ssyncadd.s32 $0xFFFFF000  }
0x78: {  	_ =	swait.ge [sflag:s22], $0x1000  }
0x79: {  	[sflag:s22] =	ssyncset.done $0x0  }
0x7a: {  	[sflag:s22] =	ssyncadd.s32 $0xFFFFF000  }
0x7b: {  	_ =	swait.ge [sflag:s22], $0x80  }
0x7c: {  	[sflag:s22] =	ssyncset.done $0x0  }
0x7d: {  	[sflag:s22] =	ssyncadd.s32 $0xFFFFFF80  }
0x7e: {  	_ =	swait.ge [sflag:s22], $0x80  }
0x7f: {  	[sflag:s22] =	ssyncset.done $0x0  }
0x80: {  	[sflag:s22] =	ssyncadd.s32 $0xFFFFFF80  }
0x81: {  	_ =	swait.ge [sflag:s22], $0x80  }
0x82: {  	[sflag:s22] =	ssyncset.done $0x0  }
0x83: {  	[sflag:s22] =	ssyncadd.s32 $0xFFFFFF80  }
0x84: {  	_ =	swait.ge [sflag:s22], $0x1000  }
0x85: {  	[sflag:s22] =	ssyncset.done $0x0  }
0x86: {  	[sflag:s22] =	ssyncadd.s32 $0xFFFFF000  }
0x87: {  	_ =	swait.ge [sflag:s22], $0x1000  }
0x88: {  	[sflag:s22] =	ssyncset.done $0x0  }
0x89: {  	[sflag:s22] =	ssyncadd.s32 $0xFFFFF000  }
0x8a: {  	_ =	swait.ge [sflag:s22], $0x1000  }
0x8b: {  	[sflag:s22] =	ssyncset.done $0x0  }
0x8c: {  	[sflag:s22] =	ssyncadd.s32 $0xFFFFF000  }
0x8d: {  	_ =	swait.ge [sflag:s22], $0x80  }
0x8e: {  	[sflag:s22] =	ssyncset.done $0x0  }
0x8f: {  	[sflag:s22] =	ssyncadd.s32 $0xFFFFFF80  }
0x90: {  	_ =	swait.ge [sflag:s22], $0x80  }
0x91: {  	[sflag:s22] =	ssyncset.done $0x0  }
0x92: {  	[sflag:s22] =	ssyncadd.s32 $0xFFFFFF80  }
0x93: {  	_ =	swait.ge [sflag:s22], $0x80  }
0x94: {  	s2 =	simm.s32 $0x700;
	s18 =	simm.s32 $0x4700;
	[sflag:s22] =	ssyncset.done $0x0  }
0x95: {  	s20 =	simm.s32 $0x8700;
	s21 =	simm.s32 $0x0;
	[sflag:s22] =	ssyncadd.s32 $0xFFFFFF80  }
.LBB2_2:
0x96: {  	v2 =	vld [tilespmem:s2+$0xFFFFFF00]  }
0x97: {  	v5 =	vld [tilespmem:s2+$0xFFFFFF10]  }
0x98: {  	v6 =	vld [tilespmem:s18+$0xFFFFFF00]  }
0x99: {  	v7 =	vld [tilespmem:s18+$0xFFFFFF10]  }
0x9a: {  	v11 =	vld [tilespmem:s20+$0xFFFFFF00]  }
0x9b: {  	v12 =	vld [tilespmem:s20+$0xFFFFFF10]  }
0x9c: {  	v13 =	vld [tilespmem:s2+$0xFFFFFF20]  }
0x9d: {  	v14 =	vld [tilespmem:s2+$0xFFFFFF30]  }
0x9e: {  	v15 =	vld [tilespmem:s18+$0xFFFFFF20]  }
0x9f: {  	v16 =	vld [tilespmem:s18+$0xFFFFFF30]  }
0xa0: {  	v18 =	vld [tilespmem:s20+$0xFFFFFF20]  }
0xa1: {  	v21 =	vld [tilespmem:s20+$0xFFFFFF30]  }
0xa2: {  	v22 =	vld [tilespmem:s2+$0xFFFFFF40]  }
0xa3: {  	v23 =	vld [tilespmem:s2+$0xFFFFFF50]  }
0xa4: {  	v24 =	vld [tilespmem:s18+$0xFFFFFF40]  }
0xa5: {  	v25 =	vld [tilespmem:s18+$0xFFFFFF50]  }
0xa6: {  	v26 =	vld [tilespmem:s20+$0xFFFFFF40]  }
0xa7: {  	v27 =	vld [tilespmem:s20+$0xFFFFFF50]  }
0xa8: {  	v28 =	vld [tilespmem:s2+$0xFFFFFF60]  }
0xa9: {  	v29 =	vld [tilespmem:s2+$0xFFFFFF70]  }
0xaa: {  	v30 =	vld [tilespmem:s18+$0xFFFFFF60]  }
0xab: {  	v31 =	vld [tilespmem:s18+$0xFFFFFF70]  }
0xac: {  	v32 =	vld [tilespmem:s20+$0xFFFFFF60]  }
0xad: {  	v33 =	vld [tilespmem:s20+$0xFFFFFF70]  }
0xae: {  	v34 =	vld [tilespmem:s2+$0xFFFFFF80]  }
0xaf: {  	v35 =	vld [tilespmem:s2+$0xFFFFFF90]  }
0xb0: {  	v36 =	vld [tilespmem:s18+$0xFFFFFF80]  }
0xb1: {  	v37 =	vld [tilespmem:s18+$0xFFFFFF90]  }
0xb2: {  	v38 =	vld [tilespmem:s20+$0xFFFFFF80]  }
0xb3: {  	v39 =	vld [tilespmem:s20+$0xFFFFFF90]  }
0xb4: {  	v40 =	vld [tilespmem:s2+$0xFFFFFFA0]  }
0xb5: {  	v41 =	vld [tilespmem:s2+$0xFFFFFFB0]  }
0xb6: {  	v42 =	vld [tilespmem:s18+$0xFFFFFFA0]  }
0xb7: {  	v43 =	vld [tilespmem:s18+$0xFFFFFFB0]  }
0xb8: {  	v44 =	vld [tilespmem:s20+$0xFFFFFFA0]  }
0xb9: {  	v45 =	vld [tilespmem:s20+$0xFFFFFFB0]  }
0xba: {  	v46 =	vld [tilespmem:s2+$0xFFFFFFC0]  }
0xbb: {  	v47 =	vld [tilespmem:s2+$0xFFFFFFD0]  }
0xbc: {  	v48 =	vld [tilespmem:s18+$0xFFFFFFC0]  }
0xbd: {  	v49 =	vld [tilespmem:s18+$0xFFFFFFD0]  }
0xbe: {  	v50 =	vld [tilespmem:s20+$0xFFFFFFC0]  }
0xbf: {  	v51 =	vld [tilespmem:s20+$0xFFFFFFD0]  }
0xc0: {  	v3 =	vld [tilespmem:s2+$0xFFFFFFE0]  }
0xc1: {  	v4 =	vld [tilespmem:s2+$0xFFFFFFF0]  }
0xc2: {  	v52 =	vld [tilespmem:s18+$0xFFFFFFE0]  }
0xc3: {  	v53 =	vld [tilespmem:s18+$0xFFFFFFF0]  }
0xc4: {  	v8 =	vld [tilespmem:s20+$0xFFFFFFE0]  }
0xc5: {  	v9 =	vld [tilespmem:s20+$0xFFFFFFF0]  }
0xc6: {  	v1 =	vld [tilespmem:s2+$0x0]  }
0xc7: {  	v0 =	vld [tilespmem:s2+$0x10]  }
0xc8: {  	s23 =	sshra.s32 s21, $0x2;
	v10 =	vld [tilespmem:s18+$0x0]  }
0xc9: {  	v17 =	vld [tilespmem:s23+$0xC600]  }
0xca: {  	v19 =	vld [tilespmem:s23+$0xC800]  }
0xcb: {  	v20 =	vld [tilespmem:s23+$0xCA00]  }
0xcc: {  	v6 =	vmul.f32 v6, v2;
	v54 =	vmul.f32 v11, v2;
	v11 =	vld [tilespmem:s18+$0x10]  }
0xcd: {  	v7 =	vmul.f32 v7, v5;
	v5 =	vmul.f32 v12, v5;
	v2 =	vld [tilespmem:s20+$0x0]  }
0xce: {  	v62 =	vmul.f32 v15, v13;
	v63 =	vmul.f32 v16, v14;
	v12 =	vld [tilespmem:s18+$0x20]  }
0xcf: {  	v13 =	vmul.f32 v18, v13;
	v14 =	vmul.f32 v21, v14;
	v16 =	vld [tilespmem:s2+$0x40]  }
0xd0: {  	v55 =	vmul.f32 v25, v23;
	v57 =	vmul.f32 v27, v23;
	v27 =	vld [tilespmem:s18+$0x40]  }
0xd1: {  	v56 =	vmul.f32 v26, v22;
	v59 =	vmul.f32 v30, v28;
	v25 =	vld [tilespmem:s20+$0x50];
	v6 =	vadd.f32 v7, v6  }
0xd2: {  	v60 =	vmul.f32 v31, v29;
	v30 =	vmul.f32 v38, v34;
	v61 =	vadd.f32 v5, v54;
	v5 =	vld [tilespmem:s20+$0x10]  }
0xd3: {  	v31 =	vmul.f32 v39, v35;
	v38 =	vmul.f32 v48, v46;
	v15 =	vadd.f32 v63, v62;
	v7 =	vld [tilespmem:s2+$0x30];
	(xrf2) =	vadd.scan.msk.f32 $0xffff, v6  }
0xd4: {  	v39 =	vmul.f32 v49, v47;
	v54 =	vmul.f32 v24, v22;
	v14 =	vadd.f32 v14, v13;
	v13 =	vld [tilespmem:s18+$0x30];
	(xrf2) =	vadd.scan.msk.f32 $0xffff, v61  }
0xd5: {  	v10 =	vmul.f32 v10, v1;
	v63 =	vmul.f32 v36, v34;
	v34 =	vadd.f32 v31, v30;
	v30 =	vld [tilespmem:s20+$0x40];
	(xrf2) =	vadd.scan.msk.f32 $0xffff, v15  }
0xd6: {  	v21 =	vadd.f32 v57, v56;
	v62 =	vmul.f32 v33, v29;
	v22 =	vld [tilespmem:s2+$0x60];
	v58 =	vadd.f32 v55, v54  }
0xd7: {  	v18 =	vadd.f32 v60, v59;
	v33 =	vmul.f32 v43, v41;
	v36 =	vmul.f32 v45, v41;
	v31 =	vld [tilespmem:s2+$0x70];
	(xrf2) =	vadd.scan.msk.f32 $0xffff, v14  }
0xd8: {  	v43 =	vmul.f32 v51, v47;
	v45 =	vadd.f32 v39, v38;
	v38 =	vld [tilespmem:s18+$0x80];
	v61 =	vmul.f32 v32, v28;
	(xrf2) =	vadd.scan.msk.f32 $0xffff, v58  }
0xd9: {  	v19 =	vadd.f32 v19, v17;
	v51 =	vmul.f32 v53, v4;
	v39 =	vld [tilespmem:s2+$0xA0];
	v28 =	vmul.f32 v37, v35;
	(xrf2) =	vadd.scan.msk.f32 $0xffff, v21  }
0xda: {  	v6 =	vld [tilespmem:s2+$0x20];
	v32 =	vmul.f32 v42, v40;
	v42 =	vmul.f32 v50, v46;
	v29 =	vadd.f32 v62, v61;
	(xrf2) =	vadd.scan.msk.f32 $0xffff, v18  }
0xdb: {  	v17 =	vadd.f32 v20, v17;
	v50 =	vmul.f32 v52, v3;
	v3 =	vmul.f32 v8, v3;
	v8 =	vld [tilespmem:s18+$0xA0]  }
0xdc: {  	v4 =	vmul.f32 v9, v4;
	v35 =	vmul.f32 v44, v40;
	v14 =	vld [tilespmem:s20+$0x20];
	v24 =	vadd.f32 v28, v63;
	(xrf2) =	vadd.scan.msk.f32 $0xffff, v29  }
0xdd: {  	v11 =	vmul.f32 v11, v0;
	v1 =	vmul.f32 v2, v1;
	v15 =	vld [tilespmem:s20+$0x30];
	v37 =	vadd.f32 v33, v32;
	v40, _, _ =	vpop (xrf2)  }
0xde: {  	v28 =	vld [tilespmem:s18+$0x50];
	v41 =	vadd.f32 v36, v35;
	v48 =	vadd.f32 v43, v42;
	v0 =	vmul.f32 v5, v0;
	(xrf2) =	vadd.scan.msk.f32 $0xffff, v24;
	v44, _, _ =	vpop (xrf2)  }
0xdf: {  	v23 =	vadd.f32 v51, v50;
	v12 =	vmul.f32 v12, v6;
	(xrf2) =	vadd.scan.msk.f32 $0xffff, v34;
	v34 =	vld [tilespmem:s2+$0x80];
	v46 =	vbroadcast v40, $0xF;
	v49, _, _ =	vpop (xrf2)  }
0xe0: {  	v35 =	vld [tilespmem:s20+$0x60];
	v3 =	vadd.f32 v4, v3;
	v47 =	vbroadcast v44, $0xF;
	v20 =	vbroadcast v49, $0xF  }
0xe1: {  	v42 =	vld [tilespmem:s2+$0xB0];
	v0 =	vadd.f32 v0, v1;
	v6 =	vmul.f32 v14, v6;
	(xrf2) =	vadd.scan.msk.f32 $0xffff, v37;
	v26 =	vadd.f32 v46, v19;
	v52, _, _ =	vpop (xrf2)  }
0xe2: {  	v21 =	vld [tilespmem:s18+$0x60];
	(xrf2) =	vadd.scan.msk.f32 $0xffff, v41;
	v29 =	vadd.f32 v47, v17;
	v32 =	vbroadcast v52, $0xF;
	v53, _, _ =	vpop (xrf2);
	v20 =	vadd.f32 v20, v19  }
0xe3: {  	(xrf2) =	vadd.scan.msk.f32 $0xffff, v45;
	v45 =	vld [tilespmem:s20+$0x80];
	v33 =	vbroadcast v53, $0xF;
	v54, _, _ =	vpop (xrf2);
	v19 =	vsel vm0, v26, v19;
	v53 =	vadd.f32 v11, v10  }
0xe4: {  	v37 =	vld [tilespmem:s2+$0x90];
	v38 =	vmul.f32 v38, v34;
	v55 =	vsel vm0, v29, v17;
	v17 =	vadd.f32 v32, v17;
	v56, _, _ =	vpop (xrf2)  }
0xe5: {  	v47 =	vld [tilespmem:s20+$0x90];
	v57 =	vbroadcast v54, $0xF;
	v20 =	vsel vm1, v19, v20;
	v29 =	vbroadcast v56, $0xF  }
0xe6: {  	v18 =	vld [tilespmem:s2+$0x50];
	(xrf2) =	vadd.scan.msk.f32 $0xffff, v48;
	v19 =	vadd.f32 v33, v19;
	v58, _, _ =	vpop (xrf2);
	v56 =	vmul.f32 v13, v7;
	v7 =	vmul.f32 v15, v7  }
0xe7: {  	v24 =	vld [tilespmem:s18+$0x70];
	(xrf2) =	vadd.scan.msk.f32 $0xffff, v23;
	v33 =	vbroadcast v58, $0xF;
	v26 =	vadd.f32 v57, v55;
	v57 =	vmul.f32 v27, v16  }
0xe8: {  	v23 =	vld [tilespmem:s20+$0x70];
	v17 =	vsel vm1, v55, v17;
	v59, _, _ =	vpop (xrf2);
	v58 =	vmul.f32 v30, v16;
	v43 =	vmul.f32 v45, v34  }
0xe9: {  	v5 =	vld [tilespmem:s2+$0xC0];
	v19 =	vsel vm2, v20, v19;
	v60 =	vbroadcast v59, $0xF;
	v29 =	vadd.f32 v29, v20  }
0xea: {  	v14 =	vld [tilespmem:s2+$0xD0];
	(xrf2) =	vadd.scan.msk.f32 $0xffff, v3;
	v3 =	vadd.f32 v56, v12;
	v47 =	vmul.f32 v47, v37;
	v61, _, _ =	vpop (xrf2);
	v33 =	vadd.f32 v33, v17  }
0xeb: {  	v40 =	vld [tilespmem:s18+$0x90];
	v36 =	vbroadcast v61, $0xF;
	v20 =	vadd.f32 v60, v20;
	v60 =	vmul.f32 v28, v18  }
0xec: {  	v59 =	vld [tilespmem:s18+$0xD0];
	v26 =	vsel vm2, v17, v26;
	v61 =	vmul.f32 v25, v18;
	v25 =	vmul.f32 v21, v22  }
0xed: {  	v52 =	vld [tilespmem:s20+$0xA0];
	v62, _, _ =	vpop (xrf2);
	v19 =	vsel vm3, v19, v29;
	v28 =	vmul.f32 v24, v31;
	v30 =	vmul.f32 v23, v31  }
0xee: {  	v10 =	vld [tilespmem:s20+$0xB0];
	v63 =	vbroadcast v62, $0xF;
	v44, _, _ =	vpop (xrf2);
	v26 =	vsel vm3, v26, v33;
	v17 =	vadd.f32 v36, v17  }
0xef: {  	v11 =	vld [tilespmem:s18+$0xC0];
	v46, _, _ =	vpop (xrf2);
	v20 =	vsel vm4, v19, v20;
	v48 =	vbroadcast v44, $0xF;
	v1 =	vadd.f32 v60, v57  }
0xf0: {  	(xrf2) =	vadd.scan.msk.f32 $0xffff, v53;
	v27 =	vld [tilespmem:s20+$0xD0];
	v45 =	vadd.f32 v28, v25;
	v19 =	vadd.f32 v63, v19;
	v49, _, _ =	vpop (xrf2);
	v29 =	vbroadcast v46, $0xF  }
0xf1: {  	v32 =	vld [tilespmem:s18+$0xB0];
	v63 =	vadd.f32 v7, v6;
	v46 =	vmul.f32 v40, v37;
	v59 =	vmul.f32 v59, v14;
	v51, _, _ =	vpop (xrf2)  }
0xf2: {  	v56 =	vld [tilespmem:s20+$0xE0];
	(xrf2) =	vadd.scan.msk.f32 $0xffff, v0;
	v17 =	vsel vm4, v26, v17;
	v50 =	vadd.f32 v48, v26;
	v26 =	vbroadcast v51, $0xF  }
0xf3: {  	v31 =	vld [tilespmem:s2+$0xE0];
	v36 =	vbroadcast v49, $0xF;
	(xrf2) =	vadd.scan.msk.f32 $0xffff, v3;
	v19 =	vsel vm5, v20, v19;
	v20 =	vadd.f32 v29, v20  }
0xf4: {  	v62 =	vld [tilespmem:s20+$0xC0];
	(xrf2) =	vadd.scan.msk.f32 $0xffff, v63;
	v54 =	vadd.f32 v26, v19;
	v26 =	vmul.f32 v35, v22;
	v35 =	vadd.f32 v61, v58  }
0xf5: {  	v44 =	vld [tilespmem:s2+$0xF0];
	v53 =	vadd.f32 v46, v38;
	v63 =	vmul.f32 v27, v14;
	v9 =	vsel vm5, v17, v50;
	(xrf2) =	vadd.scan.msk.f32 $0xffff, v1  }
0xf6: {  	v48 =	vld [tilespmem:s18+$0xE0];
	v50 =	vmul.f32 v8, v39;
	v55 =	vsel vm6, v19, v20;
	(xrf2) =	vadd.scan.msk.f32 $0xffff, v35;
	v49 =	vadd.f32 v30, v26  }
0xf7: {  	v51 =	vmul.f32 v52, v39;
	v52 =	vld [tilespmem:s18+$0xF0];
	v2 =	vsel vm7, v55, v54;
	v54 =	vmul.f32 v32, v42;
	(xrf2) =	vadd.scan.msk.f32 $0xffff, v45  }
0xf8: {  	v57 =	vadd.f32 v47, v43;
	v60 =	vld [tilespmem:s20+$0xF0];
	v27 =	vmul.f32 v56, v31;
	v55 =	vmul.f32 v10, v42;
	(xrf2) =	vadd.scan.msk.f32 $0xffff, v49  }
0xf9: {  	v62 =	vmul.f32 v62, v5;
	v14, _, _ =	vpop (xrf2);
	v58 =	vmul.f32 v11, v5;
	v61 =	vadd.f32 v54, v50;
	(xrf2) =	vadd.scan.msk.f32 $0xffff, v53  }
0xfa: {  	v29 =	vadd.f32 v36, v17;
	v16 =	vbroadcast v14, $0xF;
	v17, _, _ =	vpop (xrf2);
	v15 =	vadd.f32 v55, v51;
	(xrf2) =	vadd.scan.msk.f32 $0xffff, v57  }
0xfb: {  	v22 =	vbroadcast v17, $0xF;
	v3 =	vadd.f32 v63, v62;
	v6 =	vadd.f32 v59, v58;
	(xrf2) =	vadd.scan.msk.f32 $0xffff, v61  }
0xfc: {  	v23 =	vmul.f32 v48, v31;
	v25 =	vadd.f32 v16, v9;
	v26 =	vmul.f32 v52, v44;
	v24, _, _ =	vpop (xrf2);
	(xrf2) =	vadd.scan.msk.f32 $0xffff, v15  }
0xfd: {  	v31 =	vsel vm6, v9, v29;
	v30 =	vmul.f32 v60, v44;
	v28, _, _ =	vpop (xrf2);
	v7 =	vbroadcast v24, $0xF;
	(xrf2) =	vadd.scan.msk.f32 $0xffff, v6  }
0xfe: {  	v1 =	vadd.f32 v22, v19;
	v0 =	vsel vm7, v31, v25;
	v33 =	vadd.f32 v26, v23;
	v32, _, _ =	vpop (xrf2);
	(xrf2) =	vadd.scan.msk.f32 $0xffff, v3  }
0xff: {  	v36 =	vbroadcast v28, $0xF;
	v34, _, _ =	vpop (xrf2);
	v35 =	vadd.f32 v7, v9;
	v6 =	vadd.f32 v30, v27  }
0x100: {  	v1 =	vsel vm8, v2, v1;
	v37 =	vbroadcast v32, $0xF;
	v4 =	vbroadcast v34, $0xF;
	(xrf2) =	vadd.scan.msk.f32 $0xffff, v33;
	v38, _, _ =	vpop (xrf2)  }
0x101: {  	v2 =	vadd.f32 v36, v2;
	v39 =	vsel vm8, v0, v35;
	(xrf2) =	vadd.scan.msk.f32 $0xffff, v6;
	v40 =	vbroadcast v38, $0xF;
	v41, _, _ =	vpop (xrf2)  }
0x102: {  	v0 =	vadd.f32 v37, v0;
	v4 =	vadd.f32 v4, v1;
	v42, _, _ =	vpop (xrf2);
	v7 =	vbroadcast v41, $0xF  }
0x103: {  	v1 =	vsel vm9, v1, v2;
	v43, _, _ =	vpop (xrf2);
	v44 =	vadd.f32 v40, v39;
	v45 =	vbroadcast v42, $0xF  }
0x104: {  	v0 =	vsel vm9, v39, v0;
	v47 =	vsel vm10, v1, v4;
	v46, _, _ =	vpop (xrf2);
	v48 =	vadd.f32 v7, v1  }
0x105: {  	v8 =	vbroadcast v43, $0xF;
	v49, _, _ =	vpop (xrf2);
	v2 =	vsel vm10, v0, v44;
	v5 =	vadd.f32 v45, v0  }
0x106: {  	v51 =	vbroadcast v46, $0xF;
	v50, _, _ =	vpop (xrf2);
	v3 =	vsel vm11, v47, v48;
	v52 =	vbroadcast v49, $0xF  }
0x107: {  	v1 =	vadd.f32 v8, v1;
	v53, _, _ =	vpop (xrf2);
	v2 =	vsel vm11, v2, v5;
	v54 =	vbroadcast v50, $0xF  }
0x108: {  	v0 =	vadd.f32 v51, v0;
	v55, _, _ =	vpop (xrf2);
	v56 =	vadd.f32 v52, v3;
	v57 =	vbroadcast v53, $0xF  }
0x109: {  	v1 =	vsel vm12, v3, v1;
	v58 =	vadd.f32 v54, v2;
	v59 =	vbroadcast v55, $0xF  }
0x10a: {  	p0 =	sne.s32 s21, $0x7C0;
	v60, _, _ =	vpop (xrf2);
	v0 =	vsel vm12, v2, v0;
	v61 =	vsel vm13, v1, v56;
	v1 =	vadd.f32 v57, v1  }
.Ltmp0:
0x10b: {  	v62, _, _ =	vpop (xrf2);
	v3 =	vsel vm13, v0, v58;
	v0 =	vadd.f32 v59, v0;
	v4 =	vadd.f32 v60, v61;
	(pc) =	sbr.rel @p0 .LBB2_2-.Ltmp0, $4  }
0x10c: {  	v1 =	vsel vm14, v61, v1;
	v63 =	vadd.f32 v62, v3  }
0x10d: {  	v0 =	vsel vm14, v3, v0;
	v1 =	vsel vm15, v1, v4  }
0x10e: {  	s21 =	sadd.s32 $0x40, s21;
	v0 =	vsel vm15, v0, v63;
	[tilespmem:s23+$0xCC00] =	vst v1  }
0x10f: {  	s2 =	sadd.s32 $0x200, s2;
	s20 =	sadd.s32 $0x200, s20;
	s18 =	sadd.s32 $0x200, s18;
	[tilespmem:s23+$0xCE00] =	vst v0  }
0x110: {  	s2 =	simm.s32 $0xCC00  }
0x111: {  	[hbm4b:s10+s1] =	stream.linear.scatter [tilespmem:s2], [sflag:$0x2], $0x200, $0x38;
	[tilespmem:$0xD000] =	vst v63  }
0x112: {  	s30 =	sadd.s32 $0x1, s30;
	_ =	swait.ge [sflag:s13], $0x200  }
0x113: {  	p0 =	sne.s32 s30, s12;
	[sflag:s13] =	ssyncset.done $0x0  }
.Ltmp1:
0x114: {  	[sflag:s13] =	ssyncadd.s32 $0xFFFFFE00;
	(pc) =	sbr.rel @p0 .LBB2_1-.Ltmp1, $4  }
0x115: {  	[hbm4b:s11+s1] =	stream.linear.scatter [tilespmem:s28], [sflag:$0x2], $0x200, $0x38;
	[tilespmem:$0xD000] =	vst v63  }
0x116: {  	_ =	swait.ge [sflag:s13], $0x200  }
0x117: {  	[sflag:s13] =	ssyncset.done $0x0  }
0x118: {  	[sflag:s13] =	ssyncadd.s32 $0xFFFFFE00  }
0x119: {  	_ =	sfence.sel $0x180000  }
0x11a: {  	[bflag:$0x0] =	sbarrier.arrive $0xFFFF  }
0x11b: {  	_ =	strace $0x90000047  }
0x11c: {  	s0 =	stileid.u32;
	[bflag:$0x2] =	sbarrier.arrive $0xFFFF  }
0x11d: {  	p0 =	sne.s32 s0, $0x0;
	s0 =	rddreg [dreg:$0x6]  }
0x11e: {  	s0 =	sadd.s32 @!p0 $0x100000, s0  }
0x11f: {  	[sflag:s0] =	ssyncadd.tile.s32 @!p0 $0x1;
	_ =	shalt  }
.Lfunc_end2:
_tile_overlayer_lowered:
.L_overlay_start_2:
0x120: {  	(tag) =	ssettag $0x2  }
0x121: {  	s0 =	rddreg [dreg:$0x0];
	s2 =	stileid.u32  }
0x122: {  	s1 =	rddreg [dreg:$0x1];
	p0 =	sne.s32 s2, $0x0  }
0x123: {  	s3 =	rddreg [dreg:$0x2];
	[bflag:$0x3] =	sbarrier.arrive $0xFFFF;
	s2 =	simm.s32 @!p0 $0x1C02  }
0x124: {  	[timem:s3], [sflag:s2] =	dma.local @!p0 [hbm:s0], s1  }
0x125: {  	s0 =	simm.s32 @!p0 $0x2  }
0x126: {  	_ =	swait.ge @!p0 [sflag:s0], s1  }
0x127: {  	s1 =	ssub.s32 @!p0 $0x0, s1;
	[sflag:s0] =	ssyncset.done @!p0 $0x0  }
0x128: {  	[sflag:s0] =	ssyncadd.s32 @!p0 s1  }
0x129: {  	[bflag:$0x3] =	sbarrier.arrive $0xFFFF  }
0x12a: {  	_ =	shalt  }

</sc_bundles>
